<compile_context>
chip_gen: v7x
topology: tpu7x:2x2x1
jax: 0.10.2.dev20260603
libtpu: 0.0.44.dev20260713+nightly
codegen_flags: <defaults>
</compile_context>

<pallas_src>
import functools

import jax
import jax.numpy as jnp
from jax import lax
from jax.experimental import pallas as pl
from jax.experimental.pallas import tpu as pltpu
from jax.experimental.pallas import tpu_sc as plsc

_BATCH = 16384
_FIELDS = 26
_VOCAB = 100000
_EMBED = 32
_NC = 2
_NS = 16
_NW = _NC * _NS
_PLANES = _FIELDS * _EMBED
_PPW = _PLANES // _NW
_CHUNK = 4096
_NCHUNK = _BATCH // _CHUNK
_UNROLL = 4


def _make_plane_gather():
    mesh = plsc.VectorSubcoreMesh(core_axis_name="c", subcore_axis_name="s")

    @functools.partial(
        pl.kernel,
        mesh=mesh,
        out_type=jax.ShapeDtypeStruct((_FIELDS, _EMBED, _BATCH), jnp.float32),
        compiler_params=pltpu.CompilerParams(
            use_tc_tiling_on_sc=False, needs_layout_passes=False),
        scratch_types=[
            pltpu.VMEM((_VOCAB,), jnp.float32),
            pltpu.VMEM((_BATCH,), jnp.int32),
            pltpu.VMEM((2, _CHUNK), jnp.float32),
            pltpu.SemaphoreType.DMA,
            pltpu.SemaphoreType.DMA,
        ],
    )
    def plane_kernel(feat_hbm, tab_hbm, out_hbm, plane_v, idx_v, out_v,
                     wsem0, wsem1):
        wid = lax.axis_index("s") * _NC + lax.axis_index("c")
        wsems = (wsem0, wsem1)

        def plane_body(j, prev_f):
            p = wid * _PPW + j
            f = p // _EMBED
            e = p % _EMBED

            @pl.when(f != prev_f)
            def _():
                pltpu.sync_copy(feat_hbm.at[f], idx_v)

            pltpu.sync_copy(tab_hbm.at[f, e], plane_v)

            for c in range(_NCHUNK):
                b = c & 1

                if c >= 2:
                    pltpu.make_async_copy(
                        out_v.at[b],
                        out_hbm.at[f, e, pl.ds(0, _CHUNK)],
                        wsems[b]).wait()
                else:
                    @pl.when(j >= 1)
                    def _():
                        pltpu.make_async_copy(
                            out_v.at[b],
                            out_hbm.at[f, e, pl.ds(0, _CHUNK)],
                            wsems[b]).wait()

                def gather_body(i, carry):
                    base = c * _CHUNK + i * (16 * _UNROLL)
                    for u in range(_UNROLL):
                        vidx = idx_v[pl.ds(base + u * 16, 16)]
                        out_v[b, pl.ds(i * (16 * _UNROLL) + u * 16, 16)] = (
                            plsc.load_gather(plane_v, [vidx]))
                    return carry

                lax.fori_loop(0, _CHUNK // (16 * _UNROLL), gather_body, 0)

                pltpu.async_copy(
                    out_v.at[b],
                    out_hbm.at[f, e, pl.ds(c * _CHUNK, _CHUNK)],
                    wsems[b])
            return f

        lax.fori_loop(0, _PPW, plane_body, -1)

        for b in (0, 1):
            pltpu.make_async_copy(
                out_v.at[b],
                out_hbm.at[0, 0, pl.ds(0, _CHUNK)],
                wsems[b]).wait()

    return plane_kernel


_plane_gather = _make_plane_gather()


def kernel(features, tables):
    feat_t = features.astype(jnp.int32).T
    tab_t = jnp.transpose(tables, (0, 2, 1))
    out_t = _plane_gather(feat_t, tab_t)
    return jnp.transpose(out_t, (2, 0, 1))

# --- scband reference (transcript-rebuilt; emitter-appended) ---
"""Pipeline reference for scband-sparse-arch-15324443312160 (READ-ONLY COPY).

The authoritative reference and input builder live on the scoring server;
editing this copy changes nothing except your own understanding.
"""

import jax, jax.numpy as jnp
import numpy as np

BATCH = 16384
NUM_FIELDS = 26
VOCAB = 100000
EMBED_DIM = 32


def setup_inputs(seed: int = 0) -> dict:
    key = jax.random.key(seed)
    k_idx, k_tab = jax.random.split(key)
    features = jax.random.randint(k_idx, (BATCH, NUM_FIELDS), 0, VOCAB, dtype=jnp.int64 if jax.config.jax_enable_x64 else jnp.int32)
    # One embedding table per sparse field, stacked: [NUM_FIELDS, VOCAB, EMBED_DIM]
    tables = jax.random.normal(k_tab, (NUM_FIELDS, VOCAB, EMBED_DIM), dtype=jnp.float32) * 0.01
    return {"features": features, "tables": tables}


def reference(features, tables):
    # Faithful translation: per-field embedding lookup, concat along dim=1,
    # then reshape to [-1, num_fields, embedding_dim].
    sparse_values = []
    for feature_idx in range(NUM_FIELDS):
        feature_values = features[:, feature_idx]
        sparse_values.append(jnp.take(tables[feature_idx], feature_values, axis=0))
    out = jnp.concatenate(sparse_values, axis=1).reshape(-1, NUM_FIELDS, EMBED_DIM)
    return out

if __name__ == "__main__":
    import jax
    _d = setup_inputs()
    print(jax.jit(kernel)(*tuple(_d.values())))

</pallas_src>

<mosaic_0001>
#map = affine_map<(d0, d1) -> (0, 0)>
#map1 = affine_map<(d0, d1) -> (0, 0, 0)>
module attributes {stable_mosaic.version = 14 : i64} {
  func.func @plane_kernel(%arg0: i32, %arg1: i32, %arg2: memref<26x16384xi32, #tpu.memory_space<hbm>>, %arg3: memref<26x32x100000xf32, #tpu.memory_space<hbm>>, %arg4: memref<26x32x16384xf32, #tpu.memory_space<hbm>>, %arg5: memref<100000xf32, #tpu.memory_space<vmem>>, %arg6: memref<16384xi32, #tpu.memory_space<vmem>>, %arg7: memref<2x4096xf32, #tpu.memory_space<vmem>>, %arg8: memref<!tpu.dma_semaphore, #tpu.memory_space<semaphore_mem>>, %arg9: memref<!tpu.dma_semaphore, #tpu.memory_space<semaphore_mem>>) attributes {dimension_semantics = [#tpu.dimension_semantics<core_parallel>, #tpu.dimension_semantics<subcore_parallel>], iteration_bounds = array<i64: 2, 16>, scalar_prefetch = 0 : i64, scratch_operands = 5 : i64, tpu.core_type = #tpu.core_type<sc_vector_subcore>, window_params = [{transform_indices = #map}, {transform_indices = #map1}, {transform_indices = #map1}]} {
    %mul3A = arith.constant 2 : i32
    %mul3A_0 = arith.muli %arg1, %mul3A : i32
    %add3A = arith.addi %mul3A_0, %arg0 : i32
    %scan3A = arith.constant -1 : i32
    %scan3A_1 = arith.constant 0 : i32
    %scan3A_2 = arith.constant 26 : i32
    %scan3A_3 = arith.addi %scan3A_1, %scan3A_2 : i32
    %scan3A_4 = arith.constant 1 : i32
    %scan3A_5 = scf.for %scan3A_36 = %scan3A_1 to %scan3A_3 step %scan3A_4 iter_args(%scan3A_37 = %scan3A) -> (i32)  : i32 {
      %mul3A_38 = arith.constant 26 : i32
      %mul3A_39 = arith.muli %add3A, %mul3A_38 : i32
      %add3A_40 = arith.addi %mul3A_39, %scan3A_36 : i32
      %jit3A = arith.constant 32 : i32
      %div3A = arith.divsi %add3A_40, %jit3A : i32
      %sign3A = arith.constant 0 : i32
      %sign3A_41 = arith.cmpi sgt, %add3A_40, %sign3A : i32
      %sign3A_42 = arith.extui %sign3A_41 : i1 to i32
      %sign3A_43 = arith.constant 0 : i32
      %sign3A_44 = arith.cmpi slt, %add3A_40, %sign3A_43 : i32
      %sign3A_45 = arith.extui %sign3A_44 : i1 to i32
      %sign3A_46 = arith.subi %sign3A_42, %sign3A_45 : i32
      %sign3A_47 = arith.constant 0 : i32
      %sign3A_48 = arith.cmpi sgt, %jit3A, %sign3A_47 : i32
      %sign3A_49 = arith.extui %sign3A_48 : i1 to i32
      %sign3A_50 = arith.constant 0 : i32
      %sign3A_51 = arith.cmpi slt, %jit3A, %sign3A_50 : i32
      %sign3A_52 = arith.extui %sign3A_51 : i1 to i32
      %sign3A_53 = arith.subi %sign3A_49, %sign3A_52 : i32
      %ne3A = arith.cmpi ne, %sign3A_46, %sign3A_53 : i32
      %rem3A = arith.remsi %add3A_40, %jit3A : i32
      %ne3A_54 = arith.constant 0 : i32
      %ne3A_55 = arith.cmpi ne, %rem3A, %ne3A_54 : i32
      %and3A = arith.andi %ne3A, %ne3A_55 : i1
      %sub3A = arith.constant 1 : i32
      %sub3A_56 = arith.subi %div3A, %sub3A : i32
      %select_n3A = arith.select %and3A, %sub3A_56, %div3A : i32
      %jit3A_57 = arith.constant 32 : i32
      %eq3A = arith.constant 0 : i32
      %eq3A_58 = arith.cmpi eq, %jit3A_57, %eq3A : i32
      %jit3A_59 = arith.constant 1 : i32
      %select_n3A_60 = arith.select %eq3A_58, %jit3A_59, %jit3A_57 : i32
      %rem3A_61 = arith.remsi %add3A_40, %select_n3A_60 : i32
      %ne3A_62 = arith.constant 0 : i32
      %ne3A_63 = arith.cmpi ne, %rem3A_61, %ne3A_62 : i32
      %lt3A = arith.constant 0 : i32
      %lt3A_64 = arith.cmpi slt, %rem3A_61, %lt3A : i32
      %lt3A_65 = arith.constant 0 : i32
      %lt3A_66 = arith.cmpi slt, %select_n3A_60, %lt3A_65 : i32
      %ne3A_67 = arith.xori %lt3A_64, %lt3A_66 : i1
      %and3A_68 = arith.andi %ne3A_67, %ne3A_63 : i1
      %add3A_69 = arith.addi %rem3A_61, %select_n3A_60 : i32
      %select_n3A_70 = arith.select %and3A_68, %add3A_69, %rem3A_61 : i32
      %ne3A_71 = arith.cmpi ne, %select_n3A, %scan3A_37 : i32
      %convert_element_type3A = arith.extui %ne3A_71 : i1 to i32
      %cond3A = arith.constant 0 : i32
      %cond3A_72 = arith.cmpi ne, %convert_element_type3A, %cond3A : i32
      scf.if %cond3A_72 {
        "tpu.region"() ({
          %run_scoped3A = tpu.sem_alloc : memref<!tpu.dma_semaphore, #tpu.memory_space<semaphore_mem>>
          %dma_start3A_183 = arith.constant 0 : i32
          %dma_start3A_184 = tpu.memref_slice %arg2[%select_n3A, %dma_start3A_183] : memref<26x16384xi32, #tpu.memory_space<hbm>> -> memref<1x16384xi32, #tpu.memory_space<hbm>>
          %dma_start3A_185 = tpu.memref_squeeze %dma_start3A_184 : memref<1x16384xi32, #tpu.memory_space<hbm>> -> memref<16384xi32, #tpu.memory_space<hbm>>
          %dma_start3A_186 = arith.constant 0 : i32
          %dma_start3A_187 = tpu.memref_slice %arg2[%select_n3A, %dma_start3A_186] : memref<26x16384xi32, #tpu.memory_space<hbm>> -> memref<1x16384xi32, #tpu.memory_space<hbm>>
          %dma_start3A_188 = tpu.memref_squeeze %dma_start3A_187 : memref<1x16384xi32, #tpu.memory_space<hbm>> -> memref<16384xi32, #tpu.memory_space<hbm>>
          tpu.enqueue_dma source(%dma_start3A_188 : memref<16384xi32, #tpu.memory_space<hbm>>) target(%arg6 : memref<16384xi32, #tpu.memory_space<vmem>>) target_semaphore(%run_scoped3A : memref<!tpu.dma_semaphore, #tpu.memory_space<semaphore_mem>>)
          %dma_wait3A_189 = arith.constant 0 : i32
          %dma_wait3A_190 = tpu.memref_slice %arg2[%select_n3A, %dma_wait3A_189] : memref<26x16384xi32, #tpu.memory_space<hbm>> -> memref<1x16384xi32, #tpu.memory_space<hbm>>
          %dma_wait3A_191 = tpu.memref_squeeze %dma_wait3A_190 : memref<1x16384xi32, #tpu.memory_space<hbm>> -> memref<16384xi32, #tpu.memory_space<hbm>>
          %dma_wait3A_192 = arith.constant 0 : i32
          %dma_wait3A_193 = tpu.memref_slice %arg2[%select_n3A, %dma_wait3A_192] : memref<26x16384xi32, #tpu.memory_space<hbm>> -> memref<1x16384xi32, #tpu.memory_space<hbm>>
          %dma_wait3A_194 = tpu.memref_squeeze %dma_wait3A_193 : memref<1x16384xi32, #tpu.memory_space<hbm>> -> memref<16384xi32, #tpu.memory_space<hbm>>
          tpu.wait_dma2 semaphore(%run_scoped3A : memref<!tpu.dma_semaphore, #tpu.memory_space<semaphore_mem>>) src(%dma_wait3A_194 : memref<16384xi32, #tpu.memory_space<hbm>>) dst(%arg6 : memref<16384xi32, #tpu.memory_space<vmem>>)
          tpu.yield
        }) : () -> ()
      } else {
      }
      "tpu.region"() ({
        %run_scoped3A = tpu.sem_alloc : memref<!tpu.dma_semaphore, #tpu.memory_space<semaphore_mem>>
        %dma_start3A_183 = arith.constant 0 : i32
        %dma_start3A_184 = tpu.memref_slice %arg3[%select_n3A, %select_n3A_70, %dma_start3A_183] : memref<26x32x100000xf32, #tpu.memory_space<hbm>> -> memref<1x1x100000xf32, #tpu.memory_space<hbm>>
        %dma_start3A_185 = tpu.memref_squeeze %dma_start3A_184 : memref<1x1x100000xf32, #tpu.memory_space<hbm>> -> memref<100000xf32, #tpu.memory_space<hbm>>
        %dma_start3A_186 = arith.constant 0 : i32
        %dma_start3A_187 = tpu.memref_slice %arg3[%select_n3A, %select_n3A_70, %dma_start3A_186] : memref<26x32x100000xf32, #tpu.memory_space<hbm>> -> memref<1x1x100000xf32, #tpu.memory_space<hbm>>
        %dma_start3A_188 = tpu.memref_squeeze %dma_start3A_187 : memref<1x1x100000xf32, #tpu.memory_space<hbm>> -> memref<100000xf32, #tpu.memory_space<hbm>>
        tpu.enqueue_dma source(%dma_start3A_188 : memref<100000xf32, #tpu.memory_space<hbm>>) target(%arg5 : memref<100000xf32, #tpu.memory_space<vmem>>) target_semaphore(%run_scoped3A : memref<!tpu.dma_semaphore, #tpu.memory_space<semaphore_mem>>)
        %dma_wait3A_189 = arith.constant 0 : i32
        %dma_wait3A_190 = tpu.memref_slice %arg3[%select_n3A, %select_n3A_70, %dma_wait3A_189] : memref<26x32x100000xf32, #tpu.memory_space<hbm>> -> memref<1x1x100000xf32, #tpu.memory_space<hbm>>
        %dma_wait3A_191 = tpu.memref_squeeze %dma_wait3A_190 : memref<1x1x100000xf32, #tpu.memory_space<hbm>> -> memref<100000xf32, #tpu.memory_space<hbm>>
        %dma_wait3A_192 = arith.constant 0 : i32
        %dma_wait3A_193 = tpu.memref_slice %arg3[%select_n3A, %select_n3A_70, %dma_wait3A_192] : memref<26x32x100000xf32, #tpu.memory_space<hbm>> -> memref<1x1x100000xf32, #tpu.memory_space<hbm>>
        %dma_wait3A_194 = tpu.memref_squeeze %dma_wait3A_193 : memref<1x1x100000xf32, #tpu.memory_space<hbm>> -> memref<100000xf32, #tpu.memory_space<hbm>>
        tpu.wait_dma2 semaphore(%run_scoped3A : memref<!tpu.dma_semaphore, #tpu.memory_space<semaphore_mem>>) src(%dma_wait3A_194 : memref<100000xf32, #tpu.memory_space<hbm>>) dst(%arg5 : memref<100000xf32, #tpu.memory_space<vmem>>)
        tpu.yield
      }) : () -> ()
      %ge3A = arith.constant 1 : i32
      %ge3A_73 = arith.cmpi sge, %scan3A_36, %ge3A : i32
      %convert_element_type3A_74 = arith.extui %ge3A_73 : i1 to i32
      %cond3A_75 = arith.constant 0 : i32
      %cond3A_76 = arith.cmpi ne, %convert_element_type3A_74, %cond3A_75 : i32
      scf.if %cond3A_76 {
        %dma_wait3A_183 = arith.constant 0 : i32
        %dma_wait3A_184 = arith.constant 0 : i32
        %dma_wait3A_185 = tpu.memref_slice %arg7[%dma_wait3A_183, %dma_wait3A_184] : memref<2x4096xf32, #tpu.memory_space<vmem>> -> memref<1x4096xf32, #tpu.memory_space<vmem>>
        %dma_wait3A_186 = tpu.memref_squeeze %dma_wait3A_185 : memref<1x4096xf32, #tpu.memory_space<vmem>> -> memref<4096xf32, #tpu.memory_space<vmem>>
        %dma_wait3A_187 = arith.constant 0 : i32
        %dma_wait3A_188 = tpu.memref_slice %arg4[%select_n3A, %select_n3A_70, %dma_wait3A_187] : memref<26x32x16384xf32, #tpu.memory_space<hbm>> -> memref<1x1x4096xf32, #tpu.memory_space<hbm>>
        %dma_wait3A_189 = tpu.memref_squeeze %dma_wait3A_188 : memref<1x1x4096xf32, #tpu.memory_space<hbm>> -> memref<4096xf32, #tpu.memory_space<hbm>>
        %dma_wait3A_190 = arith.constant 0 : i32
        %dma_wait3A_191 = tpu.memref_slice %arg4[%select_n3A, %select_n3A_70, %dma_wait3A_190] : memref<26x32x16384xf32, #tpu.memory_space<hbm>> -> memref<1x1x4096xf32, #tpu.memory_space<hbm>>
        %dma_wait3A_192 = tpu.memref_squeeze %dma_wait3A_191 : memref<1x1x4096xf32, #tpu.memory_space<hbm>> -> memref<4096xf32, #tpu.memory_space<hbm>>
        %dma_wait3A_193 = arith.constant 0 : i32
        %dma_wait3A_194 = tpu.memref_slice %arg7[%dma_wait3A_183, %dma_wait3A_193] : memref<2x4096xf32, #tpu.memory_space<vmem>> -> memref<1x4096xf32, #tpu.memory_space<vmem>>
        %dma_wait3A_195 = tpu.memref_squeeze %dma_wait3A_194 : memref<1x4096xf32, #tpu.memory_space<vmem>> -> memref<4096xf32, #tpu.memory_space<vmem>>
        tpu.wait_dma2 semaphore(%arg8 : memref<!tpu.dma_semaphore, #tpu.memory_space<semaphore_mem>>) src(%dma_wait3A_195 : memref<4096xf32, #tpu.memory_space<vmem>>) dst(%dma_wait3A_192 : memref<4096xf32, #tpu.memory_space<hbm>>)
      } else {
      }
      %scan3A_77 = arith.constant 0 : i32
      %scan3A_78 = arith.constant 0 : i32
      %scan3A_79 = arith.constant 64 : i32
      %scan3A_80 = arith.addi %scan3A_78, %scan3A_79 : i32
      %scan3A_81 = arith.constant 1 : i32
      scf.for %scan3A_183 = %scan3A_78 to %scan3A_80 step %scan3A_81  : i32 {
        %mul3A_184 = arith.constant 64 : i32
        %mul3A_185 = arith.muli %scan3A_183, %mul3A_184 : i32
        %add3A_186 = arith.constant 0 : i32
        %add3A_187 = arith.addi %add3A_186, %mul3A_185 : i32
        %add3A_188 = arith.constant 0 : i32
        %add3A_189 = arith.addi %add3A_187, %add3A_188 : i32
        %get3A = arith.index_cast %add3A_189 : i32 to index
        %get3A_190 = tpu.vector_load %arg6[%get3A] {strides = array<i32>} : memref<16384xi32, #tpu.memory_space<vmem>>, vector<16xi32>,
        %gather3A = tpu.vector_load_idx %arg5[%get3A_190] : memref<100000xf32, #tpu.memory_space<vmem>>[vector<16xi32>], vector<16xf32>,
        %mul3A_191 = arith.constant 64 : i32
        %mul3A_192 = arith.muli %scan3A_183, %mul3A_191 : i32
        %add3A_193 = arith.constant 0 : i32
        %add3A_194 = arith.addi %mul3A_192, %add3A_193 : i32
        %swap3A = arith.constant 0 : i32
        %swap3A_195 = arith.index_cast %swap3A : i32 to index
        %swap3A_196 = arith.index_cast %add3A_194 : i32 to index
        %swap3A_197 = tpu.vector_load %arg7[%swap3A_195, %swap3A_196] {strides = array<i32>} : memref<2x4096xf32, #tpu.memory_space<vmem>>, vector<16xf32>,
        tpu.vector_store %arg7[%swap3A_195, %swap3A_196], %gather3A {strides = array<i32>} : memref<2x4096xf32, #tpu.memory_space<vmem>>, vector<16xf32>,
        %add3A_198 = arith.constant 16 : i32
        %add3A_199 = arith.addi %add3A_187, %add3A_198 : i32
        %get3A_200 = arith.index_cast %add3A_199 : i32 to index
        %get3A_201 = tpu.vector_load %arg6[%get3A_200] {strides = array<i32>} : memref<16384xi32, #tpu.memory_space<vmem>>, vector<16xi32>,
        %gather3A_202 = tpu.vector_load_idx %arg5[%get3A_201] : memref<100000xf32, #tpu.memory_space<vmem>>[vector<16xi32>], vector<16xf32>,
        %mul3A_203 = arith.constant 64 : i32
        %mul3A_204 = arith.muli %scan3A_183, %mul3A_203 : i32
        %add3A_205 = arith.constant 16 : i32
        %add3A_206 = arith.addi %mul3A_204, %add3A_205 : i32
        %swap3A_207 = arith.constant 0 : i32
        %swap3A_208 = arith.index_cast %swap3A_207 : i32 to index
        %swap3A_209 = arith.index_cast %add3A_206 : i32 to index
        %swap3A_210 = tpu.vector_load %arg7[%swap3A_208, %swap3A_209] {strides = array<i32>} : memref<2x4096xf32, #tpu.memory_space<vmem>>, vector<16xf32>,
        tpu.vector_store %arg7[%swap3A_208, %swap3A_209], %gather3A_202 {strides = array<i32>} : memref<2x4096xf32, #tpu.memory_space<vmem>>, vector<16xf32>,
        %add3A_211 = arith.constant 32 : i32
        %add3A_212 = arith.addi %add3A_187, %add3A_211 : i32
        %get3A_213 = arith.index_cast %add3A_212 : i32 to index
        %get3A_214 = tpu.vector_load %arg6[%get3A_213] {strides = array<i32>} : memref<16384xi32, #tpu.memory_space<vmem>>, vector<16xi32>,
        %gather3A_215 = tpu.vector_load_idx %arg5[%get3A_214] : memref<100000xf32, #tpu.memory_space<vmem>>[vector<16xi32>], vector<16xf32>,
        %mul3A_216 = arith.constant 64 : i32
        %mul3A_217 = arith.muli %scan3A_183, %mul3A_216 : i32
        %add3A_218 = arith.constant 32 : i32
        %add3A_219 = arith.addi %mul3A_217, %add3A_218 : i32
        %swap3A_220 = arith.constant 0 : i32
        %swap3A_221 = arith.index_cast %swap3A_220 : i32 to index
        %swap3A_222 = arith.index_cast %add3A_219 : i32 to index
        %swap3A_223 = tpu.vector_load %arg7[%swap3A_221, %swap3A_222] {strides = array<i32>} : memref<2x4096xf32, #tpu.memory_space<vmem>>, vector<16xf32>,
        tpu.vector_store %arg7[%swap3A_221, %swap3A_222], %gather3A_215 {strides = array<i32>} : memref<2x4096xf32, #tpu.memory_space<vmem>>, vector<16xf32>,
        %add3A_224 = arith.constant 48 : i32
        %add3A_225 = arith.addi %add3A_187, %add3A_224 : i32
        %get3A_226 = arith.index_cast %add3A_225 : i32 to index
        %get3A_227 = tpu.vector_load %arg6[%get3A_226] {strides = array<i32>} : memref<16384xi32, #tpu.memory_space<vmem>>, vector<16xi32>,
        %gather3A_228 = tpu.vector_load_idx %arg5[%get3A_227] : memref<100000xf32, #tpu.memory_space<vmem>>[vector<16xi32>], vector<16xf32>,
        %mul3A_229 = arith.constant 64 : i32
        %mul3A_230 = arith.muli %scan3A_183, %mul3A_229 : i32
        %add3A_231 = arith.constant 48 : i32
        %add3A_232 = arith.addi %mul3A_230, %add3A_231 : i32
        %swap3A_233 = arith.constant 0 : i32
        %swap3A_234 = arith.index_cast %swap3A_233 : i32 to index
        %swap3A_235 = arith.index_cast %add3A_232 : i32 to index
        %swap3A_236 = tpu.vector_load %arg7[%swap3A_234, %swap3A_235] {strides = array<i32>} : memref<2x4096xf32, #tpu.memory_space<vmem>>, vector<16xf32>,
        tpu.vector_store %arg7[%swap3A_234, %swap3A_235], %gather3A_228 {strides = array<i32>} : memref<2x4096xf32, #tpu.memory_space<vmem>>, vector<16xf32>,
      }
      %scan3A_82 = arith.constant 64 : i32
      %dma_start3A = arith.constant 0 : i32
      %dma_start3A_83 = arith.constant 0 : i32
      %dma_start3A_84 = tpu.memref_slice %arg7[%dma_start3A, %dma_start3A_83] : memref<2x4096xf32, #tpu.memory_space<vmem>> -> memref<1x4096xf32, #tpu.memory_space<vmem>>
      %dma_start3A_85 = tpu.memref_squeeze %dma_start3A_84 : memref<1x4096xf32, #tpu.memory_space<vmem>> -> memref<4096xf32, #tpu.memory_space<vmem>>
      %dma_start3A_86 = arith.constant 0 : i32
      %dma_start3A_87 = tpu.memref_slice %arg4[%select_n3A, %select_n3A_70, %dma_start3A_86] : memref<26x32x16384xf32, #tpu.memory_space<hbm>> -> memref<1x1x4096xf32, #tpu.memory_space<hbm>>
      %dma_start3A_88 = tpu.memref_squeeze %dma_start3A_87 : memref<1x1x4096xf32, #tpu.memory_space<hbm>> -> memref<4096xf32, #tpu.memory_space<hbm>>
      %dma_start3A_89 = arith.constant 0 : i32
      %dma_start3A_90 = tpu.memref_slice %arg4[%select_n3A, %select_n3A_70, %dma_start3A_89] : memref<26x32x16384xf32, #tpu.memory_space<hbm>> -> memref<1x1x4096xf32, #tpu.memory_space<hbm>>
      %dma_start3A_91 = tpu.memref_squeeze %dma_start3A_90 : memref<1x1x4096xf32, #tpu.memory_space<hbm>> -> memref<4096xf32, #tpu.memory_space<hbm>>
      %dma_start3A_92 = arith.constant 0 : i32
      %dma_start3A_93 = tpu.memref_slice %arg7[%dma_start3A, %dma_start3A_92] : memref<2x4096xf32, #tpu.memory_space<vmem>> -> memref<1x4096xf32, #tpu.memory_space<vmem>>
      %dma_start3A_94 = tpu.memref_squeeze %dma_start3A_93 : memref<1x4096xf32, #tpu.memory_space<vmem>> -> memref<4096xf32, #tpu.memory_space<vmem>>
      tpu.enqueue_dma source(%dma_start3A_94 : memref<4096xf32, #tpu.memory_space<vmem>>) target(%dma_start3A_91 : memref<4096xf32, #tpu.memory_space<hbm>>) target_semaphore(%arg8 : memref<!tpu.dma_semaphore, #tpu.memory_space<semaphore_mem>>)
      %ge3A_95 = arith.constant 1 : i32
      %ge3A_96 = arith.cmpi sge, %scan3A_36, %ge3A_95 : i32
      %convert_element_type3A_97 = arith.extui %ge3A_96 : i1 to i32
      %cond3A_98 = arith.constant 0 : i32
      %cond3A_99 = arith.cmpi ne, %convert_element_type3A_97, %cond3A_98 : i32
      scf.if %cond3A_99 {
        %dma_wait3A_183 = arith.constant 1 : i32
        %dma_wait3A_184 = arith.constant 0 : i32
        %dma_wait3A_185 = tpu.memref_slice %arg7[%dma_wait3A_183, %dma_wait3A_184] : memref<2x4096xf32, #tpu.memory_space<vmem>> -> memref<1x4096xf32, #tpu.memory_space<vmem>>
        %dma_wait3A_186 = tpu.memref_squeeze %dma_wait3A_185 : memref<1x4096xf32, #tpu.memory_space<vmem>> -> memref<4096xf32, #tpu.memory_space<vmem>>
        %dma_wait3A_187 = arith.constant 0 : i32
        %dma_wait3A_188 = tpu.memref_slice %arg4[%select_n3A, %select_n3A_70, %dma_wait3A_187] : memref<26x32x16384xf32, #tpu.memory_space<hbm>> -> memref<1x1x4096xf32, #tpu.memory_space<hbm>>
        %dma_wait3A_189 = tpu.memref_squeeze %dma_wait3A_188 : memref<1x1x4096xf32, #tpu.memory_space<hbm>> -> memref<4096xf32, #tpu.memory_space<hbm>>
        %dma_wait3A_190 = arith.constant 0 : i32
        %dma_wait3A_191 = tpu.memref_slice %arg4[%select_n3A, %select_n3A_70, %dma_wait3A_190] : memref<26x32x16384xf32, #tpu.memory_space<hbm>> -> memref<1x1x4096xf32, #tpu.memory_space<hbm>>
        %dma_wait3A_192 = tpu.memref_squeeze %dma_wait3A_191 : memref<1x1x4096xf32, #tpu.memory_space<hbm>> -> memref<4096xf32, #tpu.memory_space<hbm>>
        %dma_wait3A_193 = arith.constant 0 : i32
        %dma_wait3A_194 = tpu.memref_slice %arg7[%dma_wait3A_183, %dma_wait3A_193] : memref<2x4096xf32, #tpu.memory_space<vmem>> -> memref<1x4096xf32, #tpu.memory_space<vmem>>
        %dma_wait3A_195 = tpu.memref_squeeze %dma_wait3A_194 : memref<1x4096xf32, #tpu.memory_space<vmem>> -> memref<4096xf32, #tpu.memory_space<vmem>>
        tpu.wait_dma2 semaphore(%arg9 : memref<!tpu.dma_semaphore, #tpu.memory_space<semaphore_mem>>) src(%dma_wait3A_195 : memref<4096xf32, #tpu.memory_space<vmem>>) dst(%dma_wait3A_192 : memref<4096xf32, #tpu.memory_space<hbm>>)
      } else {
      }
      %scan3A_100 = arith.constant 0 : i32
      %scan3A_101 = arith.constant 0 : i32
      %scan3A_102 = arith.constant 64 : i32
      %scan3A_103 = arith.addi %scan3A_101, %scan3A_102 : i32
      %scan3A_104 = arith.constant 1 : i32
      scf.for %scan3A_183 = %scan3A_101 to %scan3A_103 step %scan3A_104  : i32 {
        %mul3A_184 = arith.constant 64 : i32
        %mul3A_185 = arith.muli %scan3A_183, %mul3A_184 : i32
        %add3A_186 = arith.constant 4096 : i32
        %add3A_187 = arith.addi %add3A_186, %mul3A_185 : i32
        %add3A_188 = arith.constant 0 : i32
        %add3A_189 = arith.addi %add3A_187, %add3A_188 : i32
        %get3A = arith.index_cast %add3A_189 : i32 to index
        %get3A_190 = tpu.vector_load %arg6[%get3A] {strides = array<i32>} : memref<16384xi32, #tpu.memory_space<vmem>>, vector<16xi32>,
        %gather3A = tpu.vector_load_idx %arg5[%get3A_190] : memref<100000xf32, #tpu.memory_space<vmem>>[vector<16xi32>], vector<16xf32>,
        %mul3A_191 = arith.constant 64 : i32
        %mul3A_192 = arith.muli %scan3A_183, %mul3A_191 : i32
        %add3A_193 = arith.constant 0 : i32
        %add3A_194 = arith.addi %mul3A_192, %add3A_193 : i32
        %swap3A = arith.constant 1 : i32
        %swap3A_195 = arith.index_cast %swap3A : i32 to index
        %swap3A_196 = arith.index_cast %add3A_194 : i32 to index
        %swap3A_197 = tpu.vector_load %arg7[%swap3A_195, %swap3A_196] {strides = array<i32>} : memref<2x4096xf32, #tpu.memory_space<vmem>>, vector<16xf32>,
        tpu.vector_store %arg7[%swap3A_195, %swap3A_196], %gather3A {strides = array<i32>} : memref<2x4096xf32, #tpu.memory_space<vmem>>, vector<16xf32>,
        %add3A_198 = arith.constant 16 : i32
        %add3A_199 = arith.addi %add3A_187, %add3A_198 : i32
        %get3A_200 = arith.index_cast %add3A_199 : i32 to index
        %get3A_201 = tpu.vector_load %arg6[%get3A_200] {strides = array<i32>} : memref<16384xi32, #tpu.memory_space<vmem>>, vector<16xi32>,
        %gather3A_202 = tpu.vector_load_idx %arg5[%get3A_201] : memref<100000xf32, #tpu.memory_space<vmem>>[vector<16xi32>], vector<16xf32>,
        %mul3A_203 = arith.constant 64 : i32
        %mul3A_204 = arith.muli %scan3A_183, %mul3A_203 : i32
        %add3A_205 = arith.constant 16 : i32
        %add3A_206 = arith.addi %mul3A_204, %add3A_205 : i32
        %swap3A_207 = arith.constant 1 : i32
        %swap3A_208 = arith.index_cast %swap3A_207 : i32 to index
        %swap3A_209 = arith.index_cast %add3A_206 : i32 to index
        %swap3A_210 = tpu.vector_load %arg7[%swap3A_208, %swap3A_209] {strides = array<i32>} : memref<2x4096xf32, #tpu.memory_space<vmem>>, vector<16xf32>,
        tpu.vector_store %arg7[%swap3A_208, %swap3A_209], %gather3A_202 {strides = array<i32>} : memref<2x4096xf32, #tpu.memory_space<vmem>>, vector<16xf32>,
        %add3A_211 = arith.constant 32 : i32
        %add3A_212 = arith.addi %add3A_187, %add3A_211 : i32
        %get3A_213 = arith.index_cast %add3A_212 : i32 to index
        %get3A_214 = tpu.vector_load %arg6[%get3A_213] {strides = array<i32>} : memref<16384xi32, #tpu.memory_space<vmem>>, vector<16xi32>,
        %gather3A_215 = tpu.vector_load_idx %arg5[%get3A_214] : memref<100000xf32, #tpu.memory_space<vmem>>[vector<16xi32>], vector<16xf32>,
        %mul3A_216 = arith.constant 64 : i32
        %mul3A_217 = arith.muli %scan3A_183, %mul3A_216 : i32
        %add3A_218 = arith.constant 32 : i32
        %add3A_219 = arith.addi %mul3A_217, %add3A_218 : i32
        %swap3A_220 = arith.constant 1 : i32
        %swap3A_221 = arith.index_cast %swap3A_220 : i32 to index
        %swap3A_222 = arith.index_cast %add3A_219 : i32 to index
        %swap3A_223 = tpu.vector_load %arg7[%swap3A_221, %swap3A_222] {strides = array<i32>} : memref<2x4096xf32, #tpu.memory_space<vmem>>, vector<16xf32>,
        tpu.vector_store %arg7[%swap3A_221, %swap3A_222], %gather3A_215 {strides = array<i32>} : memref<2x4096xf32, #tpu.memory_space<vmem>>, vector<16xf32>,
        %add3A_224 = arith.constant 48 : i32
        %add3A_225 = arith.addi %add3A_187, %add3A_224 : i32
        %get3A_226 = arith.index_cast %add3A_225 : i32 to index
        %get3A_227 = tpu.vector_load %arg6[%get3A_226] {strides = array<i32>} : memref<16384xi32, #tpu.memory_space<vmem>>, vector<16xi32>,
        %gather3A_228 = tpu.vector_load_idx %arg5[%get3A_227] : memref<100000xf32, #tpu.memory_space<vmem>>[vector<16xi32>], vector<16xf32>,
        %mul3A_229 = arith.constant 64 : i32
        %mul3A_230 = arith.muli %scan3A_183, %mul3A_229 : i32
        %add3A_231 = arith.constant 48 : i32
        %add3A_232 = arith.addi %mul3A_230, %add3A_231 : i32
        %swap3A_233 = arith.constant 1 : i32
        %swap3A_234 = arith.index_cast %swap3A_233 : i32 to index
        %swap3A_235 = arith.index_cast %add3A_232 : i32 to index
        %swap3A_236 = tpu.vector_load %arg7[%swap3A_234, %swap3A_235] {strides = array<i32>} : memref<2x4096xf32, #tpu.memory_space<vmem>>, vector<16xf32>,
        tpu.vector_store %arg7[%swap3A_234, %swap3A_235], %gather3A_228 {strides = array<i32>} : memref<2x4096xf32, #tpu.memory_space<vmem>>, vector<16xf32>,
      }
      %scan3A_105 = arith.constant 64 : i32
      %dma_start3A_106 = arith.constant 1 : i32
      %dma_start3A_107 = arith.constant 0 : i32
      %dma_start3A_108 = tpu.memref_slice %arg7[%dma_start3A_106, %dma_start3A_107] : memref<2x4096xf32, #tpu.memory_space<vmem>> -> memref<1x4096xf32, #tpu.memory_space<vmem>>
      %dma_start3A_109 = tpu.memref_squeeze %dma_start3A_108 : memref<1x4096xf32, #tpu.memory_space<vmem>> -> memref<4096xf32, #tpu.memory_space<vmem>>
      %dma_start3A_110 = arith.constant 4096 : i32
      %dma_start3A_111 = tpu.memref_slice %arg4[%select_n3A, %select_n3A_70, %dma_start3A_110] : memref<26x32x16384xf32, #tpu.memory_space<hbm>> -> memref<1x1x4096xf32, #tpu.memory_space<hbm>>
      %dma_start3A_112 = tpu.memref_squeeze %dma_start3A_111 : memref<1x1x4096xf32, #tpu.memory_space<hbm>> -> memref<4096xf32, #tpu.memory_space<hbm>>
      %dma_start3A_113 = arith.constant 4096 : i32
      %dma_start3A_114 = tpu.memref_slice %arg4[%select_n3A, %select_n3A_70, %dma_start3A_113] : memref<26x32x16384xf32, #tpu.memory_space<hbm>> -> memref<1x1x4096xf32, #tpu.memory_space<hbm>>
      %dma_start3A_115 = tpu.memref_squeeze %dma_start3A_114 : memref<1x1x4096xf32, #tpu.memory_space<hbm>> -> memref<4096xf32, #tpu.memory_space<hbm>>
      %dma_start3A_116 = arith.constant 0 : i32
      %dma_start3A_117 = tpu.memref_slice %arg7[%dma_start3A_106, %dma_start3A_116] : memref<2x4096xf32, #tpu.memory_space<vmem>> -> memref<1x4096xf32, #tpu.memory_space<vmem>>
      %dma_start3A_118 = tpu.memref_squeeze %dma_start3A_117 : memref<1x4096xf32, #tpu.memory_space<vmem>> -> memref<4096xf32, #tpu.memory_space<vmem>>
      tpu.enqueue_dma source(%dma_start3A_118 : memref<4096xf32, #tpu.memory_space<vmem>>) target(%dma_start3A_115 : memref<4096xf32, #tpu.memory_space<hbm>>) target_semaphore(%arg9 : memref<!tpu.dma_semaphore, #tpu.memory_space<semaphore_mem>>)
      %dma_wait3A_119 = arith.constant 0 : i32
      %dma_wait3A_120 = arith.constant 0 : i32
      %dma_wait3A_121 = tpu.memref_slice %arg7[%dma_wait3A_119, %dma_wait3A_120] : memref<2x4096xf32, #tpu.memory_space<vmem>> -> memref<1x4096xf32, #tpu.memory_space<vmem>>
      %dma_wait3A_122 = tpu.memref_squeeze %dma_wait3A_121 : memref<1x4096xf32, #tpu.memory_space<vmem>> -> memref<4096xf32, #tpu.memory_space<vmem>>
      %dma_wait3A_123 = arith.constant 0 : i32
      %dma_wait3A_124 = tpu.memref_slice %arg4[%select_n3A, %select_n3A_70, %dma_wait3A_123] : memref<26x32x16384xf32, #tpu.memory_space<hbm>> -> memref<1x1x4096xf32, #tpu.memory_space<hbm>>
      %dma_wait3A_125 = tpu.memref_squeeze %dma_wait3A_124 : memref<1x1x4096xf32, #tpu.memory_space<hbm>> -> memref<4096xf32, #tpu.memory_space<hbm>>
      %dma_wait3A_126 = arith.constant 0 : i32
      %dma_wait3A_127 = tpu.memref_slice %arg4[%select_n3A, %select_n3A_70, %dma_wait3A_126] : memref<26x32x16384xf32, #tpu.memory_space<hbm>> -> memref<1x1x4096xf32, #tpu.memory_space<hbm>>
      %dma_wait3A_128 = tpu.memref_squeeze %dma_wait3A_127 : memref<1x1x4096xf32, #tpu.memory_space<hbm>> -> memref<4096xf32, #tpu.memory_space<hbm>>
      %dma_wait3A_129 = arith.constant 0 : i32
      %dma_wait3A_130 = tpu.memref_slice %arg7[%dma_wait3A_119, %dma_wait3A_129] : memref<2x4096xf32, #tpu.memory_space<vmem>> -> memref<1x4096xf32, #tpu.memory_space<vmem>>
      %dma_wait3A_131 = tpu.memref_squeeze %dma_wait3A_130 : memref<1x4096xf32, #tpu.memory_space<vmem>> -> memref<4096xf32, #tpu.memory_space<vmem>>
      tpu.wait_dma2 semaphore(%arg8 : memref<!tpu.dma_semaphore, #tpu.memory_space<semaphore_mem>>) src(%dma_wait3A_131 : memref<4096xf32, #tpu.memory_space<vmem>>) dst(%dma_wait3A_128 : memref<4096xf32, #tpu.memory_space<hbm>>)
      %scan3A_132 = arith.constant 0 : i32
      %scan3A_133 = arith.constant 0 : i32
      %scan3A_134 = arith.constant 64 : i32
      %scan3A_135 = arith.addi %scan3A_133, %scan3A_134 : i32
      %scan3A_136 = arith.constant 1 : i32
      scf.for %scan3A_183 = %scan3A_133 to %scan3A_135 step %scan3A_136  : i32 {
        %mul3A_184 = arith.constant 64 : i32
        %mul3A_185 = arith.muli %scan3A_183, %mul3A_184 : i32
        %add3A_186 = arith.constant 8192 : i32
        %add3A_187 = arith.addi %add3A_186, %mul3A_185 : i32
        %add3A_188 = arith.constant 0 : i32
        %add3A_189 = arith.addi %add3A_187, %add3A_188 : i32
        %get3A = arith.index_cast %add3A_189 : i32 to index
        %get3A_190 = tpu.vector_load %arg6[%get3A] {strides = array<i32>} : memref<16384xi32, #tpu.memory_space<vmem>>, vector<16xi32>,
        %gather3A = tpu.vector_load_idx %arg5[%get3A_190] : memref<100000xf32, #tpu.memory_space<vmem>>[vector<16xi32>], vector<16xf32>,
        %mul3A_191 = arith.constant 64 : i32
        %mul3A_192 = arith.muli %scan3A_183, %mul3A_191 : i32
        %add3A_193 = arith.constant 0 : i32
        %add3A_194 = arith.addi %mul3A_192, %add3A_193 : i32
        %swap3A = arith.constant 0 : i32
        %swap3A_195 = arith.index_cast %swap3A : i32 to index
        %swap3A_196 = arith.index_cast %add3A_194 : i32 to index
        %swap3A_197 = tpu.vector_load %arg7[%swap3A_195, %swap3A_196] {strides = array<i32>} : memref<2x4096xf32, #tpu.memory_space<vmem>>, vector<16xf32>,
        tpu.vector_store %arg7[%swap3A_195, %swap3A_196], %gather3A {strides = array<i32>} : memref<2x4096xf32, #tpu.memory_space<vmem>>, vector<16xf32>,
        %add3A_198 = arith.constant 16 : i32
        %add3A_199 = arith.addi %add3A_187, %add3A_198 : i32
        %get3A_200 = arith.index_cast %add3A_199 : i32 to index
        %get3A_201 = tpu.vector_load %arg6[%get3A_200] {strides = array<i32>} : memref<16384xi32, #tpu.memory_space<vmem>>, vector<16xi32>,
        %gather3A_202 = tpu.vector_load_idx %arg5[%get3A_201] : memref<100000xf32, #tpu.memory_space<vmem>>[vector<16xi32>], vector<16xf32>,
        %mul3A_203 = arith.constant 64 : i32
        %mul3A_204 = arith.muli %scan3A_183, %mul3A_203 : i32
        %add3A_205 = arith.constant 16 : i32
        %add3A_206 = arith.addi %mul3A_204, %add3A_205 : i32
        %swap3A_207 = arith.constant 0 : i32
        %swap3A_208 = arith.index_cast %swap3A_207 : i32 to index
        %swap3A_209 = arith.index_cast %add3A_206 : i32 to index
        %swap3A_210 = tpu.vector_load %arg7[%swap3A_208, %swap3A_209] {strides = array<i32>} : memref<2x4096xf32, #tpu.memory_space<vmem>>, vector<16xf32>,
        tpu.vector_store %arg7[%swap3A_208, %swap3A_209], %gather3A_202 {strides = array<i32>} : memref<2x4096xf32, #tpu.memory_space<vmem>>, vector<16xf32>,
        %add3A_211 = arith.constant 32 : i32
        %add3A_212 = arith.addi %add3A_187, %add3A_211 : i32
        %get3A_213 = arith.index_cast %add3A_212 : i32 to index
        %get3A_214 = tpu.vector_load %arg6[%get3A_213] {strides = array<i32>} : memref<16384xi32, #tpu.memory_space<vmem>>, vector<16xi32>,
        %gather3A_215 = tpu.vector_load_idx %arg5[%get3A_214] : memref<100000xf32, #tpu.memory_space<vmem>>[vector<16xi32>], vector<16xf32>,
        %mul3A_216 = arith.constant 64 : i32
        %mul3A_217 = arith.muli %scan3A_183, %mul3A_216 : i32
        %add3A_218 = arith.constant 32 : i32
        %add3A_219 = arith.addi %mul3A_217, %add3A_218 : i32
        %swap3A_220 = arith.constant 0 : i32
        %swap3A_221 = arith.index_cast %swap3A_220 : i32 to index
        %swap3A_222 = arith.index_cast %add3A_219 : i32 to index
        %swap3A_223 = tpu.vector_load %arg7[%swap3A_221, %swap3A_222] {strides = array<i32>} : memref<2x4096xf32, #tpu.memory_space<vmem>>, vector<16xf32>,
        tpu.vector_store %arg7[%swap3A_221, %swap3A_222], %gather3A_215 {strides = array<i32>} : memref<2x4096xf32, #tpu.memory_space<vmem>>, vector<16xf32>,
        %add3A_224 = arith.constant 48 : i32
        %add3A_225 = arith.addi %add3A_187, %add3A_224 : i32
        %get3A_226 = arith.index_cast %add3A_225 : i32 to index
        %get3A_227 = tpu.vector_load %arg6[%get3A_226] {strides = array<i32>} : memref<16384xi32, #tpu.memory_space<vmem>>, vector<16xi32>,
        %gather3A_228 = tpu.vector_load_idx %arg5[%get3A_227] : memref<100000xf32, #tpu.memory_space<vmem>>[vector<16xi32>], vector<16xf32>,
        %mul3A_229 = arith.constant 64 : i32
        %mul3A_230 = arith.muli %scan3A_183, %mul3A_229 : i32
        %add3A_231 = arith.constant 48 : i32
        %add3A_232 = arith.addi %mul3A_230, %add3A_231 : i32
        %swap3A_233 = arith.constant 0 : i32
        %swap3A_234 = arith.index_cast %swap3A_233 : i32 to index
        %swap3A_235 = arith.index_cast %add3A_232 : i32 to index
        %swap3A_236 = tpu.vector_load %arg7[%swap3A_234, %swap3A_235] {strides = array<i32>} : memref<2x4096xf32, #tpu.memory_space<vmem>>, vector<16xf32>,
        tpu.vector_store %arg7[%swap3A_234, %swap3A_235], %gather3A_228 {strides = array<i32>} : memref<2x4096xf32, #tpu.memory_space<vmem>>, vector<16xf32>,
      }
      %scan3A_137 = arith.constant 64 : i32
      %dma_start3A_138 = arith.constant 0 : i32
      %dma_start3A_139 = arith.constant 0 : i32
      %dma_start3A_140 = tpu.memref_slice %arg7[%dma_start3A_138, %dma_start3A_139] : memref<2x4096xf32, #tpu.memory_space<vmem>> -> memref<1x4096xf32, #tpu.memory_space<vmem>>
      %dma_start3A_141 = tpu.memref_squeeze %dma_start3A_140 : memref<1x4096xf32, #tpu.memory_space<vmem>> -> memref<4096xf32, #tpu.memory_space<vmem>>
      %dma_start3A_142 = arith.constant 8192 : i32
      %dma_start3A_143 = tpu.memref_slice %arg4[%select_n3A, %select_n3A_70, %dma_start3A_142] : memref<26x32x16384xf32, #tpu.memory_space<hbm>> -> memref<1x1x4096xf32, #tpu.memory_space<hbm>>
      %dma_start3A_144 = tpu.memref_squeeze %dma_start3A_143 : memref<1x1x4096xf32, #tpu.memory_space<hbm>> -> memref<4096xf32, #tpu.memory_space<hbm>>
      %dma_start3A_145 = arith.constant 8192 : i32
      %dma_start3A_146 = tpu.memref_slice %arg4[%select_n3A, %select_n3A_70, %dma_start3A_145] : memref<26x32x16384xf32, #tpu.memory_space<hbm>> -> memref<1x1x4096xf32, #tpu.memory_space<hbm>>
      %dma_start3A_147 = tpu.memref_squeeze %dma_start3A_146 : memref<1x1x4096xf32, #tpu.memory_space<hbm>> -> memref<4096xf32, #tpu.memory_space<hbm>>
      %dma_start3A_148 = arith.constant 0 : i32
      %dma_start3A_149 = tpu.memref_slice %arg7[%dma_start3A_138, %dma_start3A_148] : memref<2x4096xf32, #tpu.memory_space<vmem>> -> memref<1x4096xf32, #tpu.memory_space<vmem>>
      %dma_start3A_150 = tpu.memref_squeeze %dma_start3A_149 : memref<1x4096xf32, #tpu.memory_space<vmem>> -> memref<4096xf32, #tpu.memory_space<vmem>>
      tpu.enqueue_dma source(%dma_start3A_150 : memref<4096xf32, #tpu.memory_space<vmem>>) target(%dma_start3A_147 : memref<4096xf32, #tpu.memory_space<hbm>>) target_semaphore(%arg8 : memref<!tpu.dma_semaphore, #tpu.memory_space<semaphore_mem>>)
      %dma_wait3A_151 = arith.constant 1 : i32
      %dma_wait3A_152 = arith.constant 0 : i32
      %dma_wait3A_153 = tpu.memref_slice %arg7[%dma_wait3A_151, %dma_wait3A_152] : memref<2x4096xf32, #tpu.memory_space<vmem>> -> memref<1x4096xf32, #tpu.memory_space<vmem>>
      %dma_wait3A_154 = tpu.memref_squeeze %dma_wait3A_153 : memref<1x4096xf32, #tpu.memory_space<vmem>> -> memref<4096xf32, #tpu.memory_space<vmem>>
      %dma_wait3A_155 = arith.constant 0 : i32
      %dma_wait3A_156 = tpu.memref_slice %arg4[%select_n3A, %select_n3A_70, %dma_wait3A_155] : memref<26x32x16384xf32, #tpu.memory_space<hbm>> -> memref<1x1x4096xf32, #tpu.memory_space<hbm>>
      %dma_wait3A_157 = tpu.memref_squeeze %dma_wait3A_156 : memref<1x1x4096xf32, #tpu.memory_space<hbm>> -> memref<4096xf32, #tpu.memory_space<hbm>>
      %dma_wait3A_158 = arith.constant 0 : i32
      %dma_wait3A_159 = tpu.memref_slice %arg4[%select_n3A, %select_n3A_70, %dma_wait3A_158] : memref<26x32x16384xf32, #tpu.memory_space<hbm>> -> memref<1x1x4096xf32, #tpu.memory_space<hbm>>
      %dma_wait3A_160 = tpu.memref_squeeze %dma_wait3A_159 : memref<1x1x4096xf32, #tpu.memory_space<hbm>> -> memref<4096xf32, #tpu.memory_space<hbm>>
      %dma_wait3A_161 = arith.constant 0 : i32
      %dma_wait3A_162 = tpu.memref_slice %arg7[%dma_wait3A_151, %dma_wait3A_161] : memref<2x4096xf32, #tpu.memory_space<vmem>> -> memref<1x4096xf32, #tpu.memory_space<vmem>>
      %dma_wait3A_163 = tpu.memref_squeeze %dma_wait3A_162 : memref<1x4096xf32, #tpu.memory_space<vmem>> -> memref<4096xf32, #tpu.memory_space<vmem>>
      tpu.wait_dma2 semaphore(%arg9 : memref<!tpu.dma_semaphore, #tpu.memory_space<semaphore_mem>>) src(%dma_wait3A_163 : memref<4096xf32, #tpu.memory_space<vmem>>) dst(%dma_wait3A_160 : memref<4096xf32, #tpu.memory_space<hbm>>)
      %scan3A_164 = arith.constant 0 : i32
      %scan3A_165 = arith.constant 0 : i32
      %scan3A_166 = arith.constant 64 : i32
      %scan3A_167 = arith.addi %scan3A_165, %scan3A_166 : i32
      %scan3A_168 = arith.constant 1 : i32
      scf.for %scan3A_183 = %scan3A_165 to %scan3A_167 step %scan3A_168  : i32 {
        %mul3A_184 = arith.constant 64 : i32
        %mul3A_185 = arith.muli %scan3A_183, %mul3A_184 : i32
        %add3A_186 = arith.constant 12288 : i32
        %add3A_187 = arith.addi %add3A_186, %mul3A_185 : i32
        %add3A_188 = arith.constant 0 : i32
        %add3A_189 = arith.addi %add3A_187, %add3A_188 : i32
        %get3A = arith.index_cast %add3A_189 : i32 to index
        %get3A_190 = tpu.vector_load %arg6[%get3A] {strides = array<i32>} : memref<16384xi32, #tpu.memory_space<vmem>>, vector<16xi32>,
        %gather3A = tpu.vector_load_idx %arg5[%get3A_190] : memref<100000xf32, #tpu.memory_space<vmem>>[vector<16xi32>], vector<16xf32>,
        %mul3A_191 = arith.constant 64 : i32
        %mul3A_192 = arith.muli %scan3A_183, %mul3A_191 : i32
        %add3A_193 = arith.constant 0 : i32
        %add3A_194 = arith.addi %mul3A_192, %add3A_193 : i32
        %swap3A = arith.constant 1 : i32
        %swap3A_195 = arith.index_cast %swap3A : i32 to index
        %swap3A_196 = arith.index_cast %add3A_194 : i32 to index
        %swap3A_197 = tpu.vector_load %arg7[%swap3A_195, %swap3A_196] {strides = array<i32>} : memref<2x4096xf32, #tpu.memory_space<vmem>>, vector<16xf32>,
        tpu.vector_store %arg7[%swap3A_195, %swap3A_196], %gather3A {strides = array<i32>} : memref<2x4096xf32, #tpu.memory_space<vmem>>, vector<16xf32>,
        %add3A_198 = arith.constant 16 : i32
        %add3A_199 = arith.addi %add3A_187, %add3A_198 : i32
        %get3A_200 = arith.index_cast %add3A_199 : i32 to index
        %get3A_201 = tpu.vector_load %arg6[%get3A_200] {strides = array<i32>} : memref<16384xi32, #tpu.memory_space<vmem>>, vector<16xi32>,
        %gather3A_202 = tpu.vector_load_idx %arg5[%get3A_201] : memref<100000xf32, #tpu.memory_space<vmem>>[vector<16xi32>], vector<16xf32>,
        %mul3A_203 = arith.constant 64 : i32
        %mul3A_204 = arith.muli %scan3A_183, %mul3A_203 : i32
        %add3A_205 = arith.constant 16 : i32
        %add3A_206 = arith.addi %mul3A_204, %add3A_205 : i32
        %swap3A_207 = arith.constant 1 : i32
        %swap3A_208 = arith.index_cast %swap3A_207 : i32 to index
        %swap3A_209 = arith.index_cast %add3A_206 : i32 to index
        %swap3A_210 = tpu.vector_load %arg7[%swap3A_208, %swap3A_209] {strides = array<i32>} : memref<2x4096xf32, #tpu.memory_space<vmem>>, vector<16xf32>,
        tpu.vector_store %arg7[%swap3A_208, %swap3A_209], %gather3A_202 {strides = array<i32>} : memref<2x4096xf32, #tpu.memory_space<vmem>>, vector<16xf32>,
        %add3A_211 = arith.constant 32 : i32
        %add3A_212 = arith.addi %add3A_187, %add3A_211 : i32
        %get3A_213 = arith.index_cast %add3A_212 : i32 to index
        %get3A_214 = tpu.vector_load %arg6[%get3A_213] {strides = array<i32>} : memref<16384xi32, #tpu.memory_space<vmem>>, vector<16xi32>,
        %gather3A_215 = tpu.vector_load_idx %arg5[%get3A_214] : memref<100000xf32, #tpu.memory_space<vmem>>[vector<16xi32>], vector<16xf32>,
        %mul3A_216 = arith.constant 64 : i32
        %mul3A_217 = arith.muli %scan3A_183, %mul3A_216 : i32
        %add3A_218 = arith.constant 32 : i32
        %add3A_219 = arith.addi %mul3A_217, %add3A_218 : i32
        %swap3A_220 = arith.constant 1 : i32
        %swap3A_221 = arith.index_cast %swap3A_220 : i32 to index
        %swap3A_222 = arith.index_cast %add3A_219 : i32 to index
        %swap3A_223 = tpu.vector_load %arg7[%swap3A_221, %swap3A_222] {strides = array<i32>} : memref<2x4096xf32, #tpu.memory_space<vmem>>, vector<16xf32>,
        tpu.vector_store %arg7[%swap3A_221, %swap3A_222], %gather3A_215 {strides = array<i32>} : memref<2x4096xf32, #tpu.memory_space<vmem>>, vector<16xf32>,
        %add3A_224 = arith.constant 48 : i32
        %add3A_225 = arith.addi %add3A_187, %add3A_224 : i32
        %get3A_226 = arith.index_cast %add3A_225 : i32 to index
        %get3A_227 = tpu.vector_load %arg6[%get3A_226] {strides = array<i32>} : memref<16384xi32, #tpu.memory_space<vmem>>, vector<16xi32>,
        %gather3A_228 = tpu.vector_load_idx %arg5[%get3A_227] : memref<100000xf32, #tpu.memory_space<vmem>>[vector<16xi32>], vector<16xf32>,
        %mul3A_229 = arith.constant 64 : i32
        %mul3A_230 = arith.muli %scan3A_183, %mul3A_229 : i32
        %add3A_231 = arith.constant 48 : i32
        %add3A_232 = arith.addi %mul3A_230, %add3A_231 : i32
        %swap3A_233 = arith.constant 1 : i32
        %swap3A_234 = arith.index_cast %swap3A_233 : i32 to index
        %swap3A_235 = arith.index_cast %add3A_232 : i32 to index
        %swap3A_236 = tpu.vector_load %arg7[%swap3A_234, %swap3A_235] {strides = array<i32>} : memref<2x4096xf32, #tpu.memory_space<vmem>>, vector<16xf32>,
        tpu.vector_store %arg7[%swap3A_234, %swap3A_235], %gather3A_228 {strides = array<i32>} : memref<2x4096xf32, #tpu.memory_space<vmem>>, vector<16xf32>,
      }
      %scan3A_169 = arith.constant 64 : i32
      %dma_start3A_170 = arith.constant 1 : i32
      %dma_start3A_171 = arith.constant 0 : i32
      %dma_start3A_172 = tpu.memref_slice %arg7[%dma_start3A_170, %dma_start3A_171] : memref<2x4096xf32, #tpu.memory_space<vmem>> -> memref<1x4096xf32, #tpu.memory_space<vmem>>
      %dma_start3A_173 = tpu.memref_squeeze %dma_start3A_172 : memref<1x4096xf32, #tpu.memory_space<vmem>> -> memref<4096xf32, #tpu.memory_space<vmem>>
      %dma_start3A_174 = arith.constant 12288 : i32
      %dma_start3A_175 = tpu.memref_slice %arg4[%select_n3A, %select_n3A_70, %dma_start3A_174] : memref<26x32x16384xf32, #tpu.memory_space<hbm>> -> memref<1x1x4096xf32, #tpu.memory_space<hbm>>
      %dma_start3A_176 = tpu.memref_squeeze %dma_start3A_175 : memref<1x1x4096xf32, #tpu.memory_space<hbm>> -> memref<4096xf32, #tpu.memory_space<hbm>>
      %dma_start3A_177 = arith.constant 12288 : i32
      %dma_start3A_178 = tpu.memref_slice %arg4[%select_n3A, %select_n3A_70, %dma_start3A_177] : memref<26x32x16384xf32, #tpu.memory_space<hbm>> -> memref<1x1x4096xf32, #tpu.memory_space<hbm>>
      %dma_start3A_179 = tpu.memref_squeeze %dma_start3A_178 : memref<1x1x4096xf32, #tpu.memory_space<hbm>> -> memref<4096xf32, #tpu.memory_space<hbm>>
      %dma_start3A_180 = arith.constant 0 : i32
      %dma_start3A_181 = tpu.memref_slice %arg7[%dma_start3A_170, %dma_start3A_180] : memref<2x4096xf32, #tpu.memory_space<vmem>> -> memref<1x4096xf32, #tpu.memory_space<vmem>>
      %dma_start3A_182 = tpu.memref_squeeze %dma_start3A_181 : memref<1x4096xf32, #tpu.memory_space<vmem>> -> memref<4096xf32, #tpu.memory_space<vmem>>
      tpu.enqueue_dma source(%dma_start3A_182 : memref<4096xf32, #tpu.memory_space<vmem>>) target(%dma_start3A_179 : memref<4096xf32, #tpu.memory_space<hbm>>) target_semaphore(%arg9 : memref<!tpu.dma_semaphore, #tpu.memory_space<semaphore_mem>>)
      scf.yield %select_n3A : i32
    }
    %scan3A_6 = arith.constant 26 : i32
    %dma_wait3A = arith.constant 0 : i32
    %dma_wait3A_7 = arith.constant 0 : i32
    %dma_wait3A_8 = arith.constant 0 : i32
    %dma_wait3A_9 = arith.constant 0 : i32
    %dma_wait3A_10 = tpu.memref_slice %arg7[%dma_wait3A, %dma_wait3A_9] : memref<2x4096xf32, #tpu.memory_space<vmem>> -> memref<1x4096xf32, #tpu.memory_space<vmem>>
    %dma_wait3A_11 = tpu.memref_squeeze %dma_wait3A_10 : memref<1x4096xf32, #tpu.memory_space<vmem>> -> memref<4096xf32, #tpu.memory_space<vmem>>
    %dma_wait3A_12 = arith.constant 0 : i32
    %dma_wait3A_13 = tpu.memref_slice %arg4[%dma_wait3A_7, %dma_wait3A_8, %dma_wait3A_12] : memref<26x32x16384xf32, #tpu.memory_space<hbm>> -> memref<1x1x4096xf32, #tpu.memory_space<hbm>>
    %dma_wait3A_14 = tpu.memref_squeeze %dma_wait3A_13 : memref<1x1x4096xf32, #tpu.memory_space<hbm>> -> memref<4096xf32, #tpu.memory_space<hbm>>
    %dma_wait3A_15 = arith.constant 0 : i32
    %dma_wait3A_16 = tpu.memref_slice %arg4[%dma_wait3A_7, %dma_wait3A_8, %dma_wait3A_15] : memref<26x32x16384xf32, #tpu.memory_space<hbm>> -> memref<1x1x4096xf32, #tpu.memory_space<hbm>>
    %dma_wait3A_17 = tpu.memref_squeeze %dma_wait3A_16 : memref<1x1x4096xf32, #tpu.memory_space<hbm>> -> memref<4096xf32, #tpu.memory_space<hbm>>
    %dma_wait3A_18 = arith.constant 0 : i32
    %dma_wait3A_19 = tpu.memref_slice %arg7[%dma_wait3A, %dma_wait3A_18] : memref<2x4096xf32, #tpu.memory_space<vmem>> -> memref<1x4096xf32, #tpu.memory_space<vmem>>
    %dma_wait3A_20 = tpu.memref_squeeze %dma_wait3A_19 : memref<1x4096xf32, #tpu.memory_space<vmem>> -> memref<4096xf32, #tpu.memory_space<vmem>>
    tpu.wait_dma2 semaphore(%arg8 : memref<!tpu.dma_semaphore, #tpu.memory_space<semaphore_mem>>) src(%dma_wait3A_20 : memref<4096xf32, #tpu.memory_space<vmem>>) dst(%dma_wait3A_17 : memref<4096xf32, #tpu.memory_space<hbm>>)
    %dma_wait3A_21 = arith.constant 1 : i32
    %dma_wait3A_22 = arith.constant 0 : i32
    %dma_wait3A_23 = arith.constant 0 : i32
    %dma_wait3A_24 = arith.constant 0 : i32
    %dma_wait3A_25 = tpu.memref_slice %arg7[%dma_wait3A_21, %dma_wait3A_24] : memref<2x4096xf32, #tpu.memory_space<vmem>> -> memref<1x4096xf32, #tpu.memory_space<vmem>>
    %dma_wait3A_26 = tpu.memref_squeeze %dma_wait3A_25 : memref<1x4096xf32, #tpu.memory_space<vmem>> -> memref<4096xf32, #tpu.memory_space<vmem>>
    %dma_wait3A_27 = arith.constant 0 : i32
    %dma_wait3A_28 = tpu.memref_slice %arg4[%dma_wait3A_22, %dma_wait3A_23, %dma_wait3A_27] : memref<26x32x16384xf32, #tpu.memory_space<hbm>> -> memref<1x1x4096xf32, #tpu.memory_space<hbm>>
    %dma_wait3A_29 = tpu.memref_squeeze %dma_wait3A_28 : memref<1x1x4096xf32, #tpu.memory_space<hbm>> -> memref<4096xf32, #tpu.memory_space<hbm>>
    %dma_wait3A_30 = arith.constant 0 : i32
    %dma_wait3A_31 = tpu.memref_slice %arg4[%dma_wait3A_22, %dma_wait3A_23, %dma_wait3A_30] : memref<26x32x16384xf32, #tpu.memory_space<hbm>> -> memref<1x1x4096xf32, #tpu.memory_space<hbm>>
    %dma_wait3A_32 = tpu.memref_squeeze %dma_wait3A_31 : memref<1x1x4096xf32, #tpu.memory_space<hbm>> -> memref<4096xf32, #tpu.memory_space<hbm>>
    %dma_wait3A_33 = arith.constant 0 : i32
    %dma_wait3A_34 = tpu.memref_slice %arg7[%dma_wait3A_21, %dma_wait3A_33] : memref<2x4096xf32, #tpu.memory_space<vmem>> -> memref<1x4096xf32, #tpu.memory_space<vmem>>
    %dma_wait3A_35 = tpu.memref_squeeze %dma_wait3A_34 : memref<1x4096xf32, #tpu.memory_space<vmem>> -> memref<4096xf32, #tpu.memory_space<vmem>>
    tpu.wait_dma2 semaphore(%arg9 : memref<!tpu.dma_semaphore, #tpu.memory_space<semaphore_mem>>) src(%dma_wait3A_35 : memref<4096xf32, #tpu.memory_space<vmem>>) dst(%dma_wait3A_32 : memref<4096xf32, #tpu.memory_space<hbm>>)
    return
  }
}

</mosaic_0001>

<sc_bundles>
// kernel: kernel.3.cloned.1.call-start
scs
__scs_entry_jumppad:
0x0: {  	(pc) =	sbr.rel $0x88, $3  }
0x1: {  	(tag) =	ssettag $0x0;
	lr =	simm.s32 $0x1  }
0x2: {  	[smem:$0x3F9F] =	sst lr;
	_ =	strace $0xD0000000  }
0x3: {  	_ = 	snop  }
0x4: {  	_ = 	snop  }
0x5: {  	_ = 	snop  }
0x6: {  	_ = 	snop  }
0x7: {  	_ = 	snop  }
__scs_overlays_trampoline_lowered:
0x8: {  	[smem:$0x3FAE] =	sst s0  }
0x9: {  	[smem:$0x3FAF] =	sst s1  }
0xa: {  	[smem:$0x3FB0] =	sst s2  }
0xb: {  	[smem:$0x3FB1] =	sst s3  }
0xc: {  	[smem:$0x3FB2] =	sst s4  }
0xd: {  	[smem:$0x3FB3] =	sst s5  }
0xe: {  	[smem:$0x3FB4] =	sst s6  }
0xf: {  	[smem:$0x3FB5] =	sst s7  }
0x10: {  	[smem:$0x3FB6] =	sst s8  }
0x11: {  	[smem:$0x3FB7] =	sst s9;
	s0 =	simm.s32 @!p0 $0x0  }
0x12: {  	s1 =	sld [smem:$0x3F9D];
	s0 =	simm.s32 @p0 $0x1  }
0x13: {  	[smem:$0x3FB8] =	sst s0;
	s0 =	simm.s32 @!p1 $0x0  }
0x14: {  	s2 =	sld [smem:$0x3F9C];
	s0 =	simm.s32 @p1 $0x1  }
0x15: {  	[smem:$0x3FB9] =	sst s0;
	s0 =	simm.s32 @!p2 $0x0  }
0x16: {  	s3 =	sld [smem:$0x3FDB];
	s0 =	simm.s32 @p2 $0x1  }
0x17: {  	s4 =	simm.s32 $0x1BF5;
	[smem:$0x3FBB] =	sst s0  }
0x18: {  	s0 =	sld [smem:$0x3F9E];
	_ =	swait.ge [sflag:s4], $0x0  }
0x19: {  	s7 =	sld [smem:$0x3F9F]  }
0x1a: {  	s8 =	sadd.s32 $0xFFFFE003, lr  }
0x1b: {  	s9 =	sadd.s32 $0xFFFFFEF7, lr;
	s5 =	simm.s32 $0xFFFFFFFF;
	p2 =	slt.u32 s8, $0xFFFFF086  }
0x1c: {  	p1 =	slt.u32 s9, $0xF7A;
	s5 =	simm.s32 @!p2 $0x0  }
0x1d: {  	s5 =	simm.s32 @p1 $0x1;
	p0 =	seq.s32 s7, s2  }
0x1e: {  	s7 =	smul.u32 @!p0 $0xF7A, s2;
	p2 =	seq.s32 @!p0 s5, $0x0  }
0x1f: {  	s9 =	smul.u32 $0xF7A, s1;
	s8 =	simm.s32 @!p0 $0x1BF5;
	p2 =	por !p2, p0  }
0x20: {  	[sflag:s8] =	ssyncset.s32 @!p0 $0xFFFFF086;
	s6 =	sadd.s32 @!p0 s3, s7;
	s7 =	simm.s32 @!p0 $0x108  }
0x21: {  	s3 =	sadd.s32 s3, s9;
	s6 =	sadd.s32 @!p0 $0x88, s6;
	s7 =	simm.s32 @p2 $0x1082  }
0x22: {  	[simem:s7], [sflag:s8] =	dma.local @!p0 [hbm:s6], $0xF7A  }
0x23: {  	s9 =	sor.u32 $0xD0000000, s2;
	s6 =	simm.s32 $0x108;
	_ =	swait.ge @!p0 [sflag:s8], $0x0  }
0x24: {  	s3 =	sadd.s32 $0x88, s3;
	s6 =	simm.s32 @!p1 $0x1082;
	[sflag:s4] =	ssyncset.s32 $0xFFFFF086  }
0x25: {  	[simem:s6], [sflag:s4] =	dma.local [hbm:s3], $0xF7A  }
0x26: {  	[smem:$0x3F9F] =	sst s1;
	(tag) =	ssettag s2;
	_ =	strace s9  }
0x27: {  	s1 =	sld [smem:$0x3FAF]  }
0x28: {  	s2 =	sld [smem:$0x3FB0]  }
0x29: {  	s4 =	sld [smem:$0x3FB2]  }
0x2a: {  	p0 =	seq.s32 s5, $0x0;
	s5 =	sld [smem:$0x3FB3]  }
0x2b: {  	s6 =	sld [smem:$0x3FB4]  }
0x2c: {  	s7 =	sld [smem:$0x3FB5]  }
0x2d: {  	s3 =	simm.s32 $0x108;
	s8 =	sld [smem:$0x3FB6]  }
0x2e: {  	s3 =	simm.s32 @!p0 $0x1082;
	s9 =	sld [smem:$0x3FB7]  }
0x2f: {  	lr =	sadd.s32 s0, s3;
	s0 =	sld [smem:$0x3FAE]  }
0x30: {  	s3 =	sld [smem:$0x3FB1]  }
0x31: {  	[smem:$0x3FBA] =	sst s10  }
0x32: {  	s10 =	sld [smem:$0x3FB8];
	_ =	sdelay $0x3  }
0x33: {  	p0 =	seq.s32 s10, $0x1;
	s10 =	sld [smem:$0x3FBA];
	_ =	sdelay $0x3  }
0x34: {  	[smem:$0x3FBA] =	sst s10  }
0x35: {  	s10 =	sld [smem:$0x3FB9];
	_ =	sdelay $0x3  }
0x36: {  	p1 =	seq.s32 s10, $0x1;
	s10 =	sld [smem:$0x3FBA];
	_ =	sdelay $0x3  }
0x37: {  	[smem:$0x3FBA] =	sst s10  }
0x38: {  	s10 =	sld [smem:$0x3FBB]  }
0x39: {  	_ = 	snop;
	(pc) =	sbr.ind lr, $3  }
0x3a: {  	_ = 	snop  }
0x3b: {  	_ = 	snop  }
0x3c: {  	p2 =	seq.s32 s10, $0x1;
	s10 =	sld [smem:$0x3FBA]  }
0x3d: {  	_ =	shalt  }
0x3e: {  	_ =	shalt  }
0x3f: {  	_ =	shalt  }
0x40: {  	_ =	shalt  }
0x41: {  	_ =	shalt  }
0x42: {  	_ =	shalt  }
0x43: {  	_ =	shalt  }
0x44: {  	_ =	shalt  }
0x45: {  	_ =	shalt  }
0x46: {  	_ =	shalt  }
0x47: {  	_ =	shalt  }
0x48: {  	_ =	shalt  }
0x49: {  	_ =	shalt  }
0x4a: {  	_ =	shalt  }
0x4b: {  	_ =	shalt  }
0x4c: {  	_ =	shalt  }
0x4d: {  	_ =	shalt  }
0x4e: {  	_ =	shalt  }
0x4f: {  	_ =	shalt  }
0x50: {  	_ =	shalt  }
0x51: {  	_ =	shalt  }
0x52: {  	_ =	shalt  }
0x53: {  	_ =	shalt  }
0x54: {  	_ =	shalt  }
0x55: {  	_ =	shalt  }
0x56: {  	_ =	shalt  }
0x57: {  	_ =	shalt  }
0x58: {  	_ =	shalt  }
0x59: {  	_ =	shalt  }
0x5a: {  	_ =	shalt  }
0x5b: {  	_ =	shalt  }
0x5c: {  	_ =	shalt  }
0x5d: {  	_ =	shalt  }
0x5e: {  	_ =	shalt  }
0x5f: {  	_ =	shalt  }
0x60: {  	_ =	shalt  }
0x61: {  	_ =	shalt  }
0x62: {  	_ =	shalt  }
0x63: {  	_ =	shalt  }
0x64: {  	_ =	shalt  }
0x65: {  	_ =	shalt  }
0x66: {  	_ =	shalt  }
0x67: {  	_ =	shalt  }
0x68: {  	_ =	shalt  }
0x69: {  	_ =	shalt  }
0x6a: {  	_ =	shalt  }
0x6b: {  	_ =	shalt  }
0x6c: {  	_ =	shalt  }
0x6d: {  	_ =	shalt  }
0x6e: {  	_ =	shalt  }
0x6f: {  	_ =	shalt  }
0x70: {  	_ =	shalt  }
0x71: {  	_ =	shalt  }
0x72: {  	_ =	shalt  }
0x73: {  	_ =	shalt  }
0x74: {  	_ =	shalt  }
0x75: {  	_ =	shalt  }
0x76: {  	_ =	shalt  }
0x77: {  	_ =	shalt  }
0x78: {  	_ =	shalt  }
0x79: {  	_ =	shalt  }
0x7a: {  	_ =	shalt  }
0x7b: {  	_ =	shalt  }
0x7c: {  	_ =	shalt  }
0x7d: {  	_ =	shalt  }
0x7e: {  	_ =	shalt  }
0x7f: {  	_ =	shalt  }
0x80: {  	_ =	shalt  }
0x81: {  	_ =	shalt  }
0x82: {  	_ =	shalt  }
0x83: {  	_ =	shalt  }
0x84: {  	_ =	shalt  }
0x85: {  	_ =	shalt  }
0x86: {  	_ =	shalt  }
0x87: {  	_ =	shalt  }
.Lfunc_end0:
.L_simem_size_0:
called_computation_lowered:
.L_overlay_start_0:
0x88: {  	s2 =	sld [smem:$0x3FD9]  }
0x89: {  	s3 =	sld [smem:$0x3FFE];
	_ =	sdelay $0x1  }
0x8a: {  	s1 =	srdreg.scid  }
0x8b: {  	s0 =	sand.u32 $0x1, s1  }
0x8c: {  	s17 =	sshll.u32 s0, $0xA;
	s2 =	sadd.s32 s3, s2  }
0x8d: {  	s2 =	sadd.s32 s2, s17  }
0x8e: {  	[smem:$0x3FC6] =	sst s2  }
0x8f: {  	_ = 	snop  }
0x90: {  	s2 =	sld [smem:$0x3FD0];
	(tm) =	ssettm $0x1  }
0x91: {  	s18 =	sld [smem:$0x3FFB];
	_ =	sdelay $0x3  }
0x92: {  	_ =	strace s18  }
0x93: {  	s3 =	sld [smem:$0x3FFC];
	_ =	sdelay $0x3  }
0x94: {  	_ =	strace s3  }
0x95: {  	s3 =	sld [smem:$0x3FFD];
	_ =	sdelay $0x3  }
0x96: {  	_ =	strace s3  }
0x97: {  	_ =	strace $0x8FFFFFFF  }
0x98: {  	s19 =	sld [smem:$0x3FDB];
	_ =	sdelay $0x1  }
0x99: {  	s4 =	simm.s32 $_scs_section_size  }
0x9a: {  	s5 =	simm.s32 $_size__tile_overlayer_lowered;
	s6 =	simm.s32 $_tile_overlayer_lowered  }
0x9b: {  	s22 =	simm.s32 $0x1BFF;
	s21 =	sshll.u32 s6, $0x1;
	s3 =	sadd.s32 s4, s19  }
0x9c: {  	s7 =	simm.s32 $0x0;
	s20 =	sshll.u32 s5, $0x1;
	s5 =	sadd.s32 s21, s3  }
0x9d: {  	[timem:s7], [sflag:s22] =	dma.local [hbm:s5], s20  }
0x9e: {  	_ =	swait.ge [sflag:s22], s20  }
0x9f: {  	s4 =	ssub.s32 $0x0, s20;
	[sflag:s22] =	ssyncset.done $0x0  }
0xa0: {  	[sflag:s22] =	ssyncadd.s32 s4;
	_ =	sdelay $0x1  }
0xa1: {  	s23 =	simm.s32 $0x1B8B  }
0xa2: {  	_ =	swait.ge [sflag:s23], $0x1  }
0xa3: {  	[sflag:s23] =	ssyncset.done $0x0  }
0xa4: {  	s25 =	simm.s32 $0x1B8E;
	s24 =	sld [smem:$0x3FFE];
	[sflag:s23] =	ssyncadd.s32 $0xFFFFFFFF  }
0xa5: {  	s26 =	simm.s32 $execute0_lowered;
	[smem:$0x3FD2] =	sst s25  }
0xa6: {  	s5 =	sshll.u32 s26, $0x1;
	_ =	strace $0x80000046;
	[dreg:$0x1] =	wrdreg $0xFFFFFFFF  }
0xa7: {  	s28 =	simm.s32 $_size_execute0_lowered;
	s3 =	sadd.s32 s3, s5;
	[dreg:$0x0] =	wrdreg $0x0  }
0xa8: {  	s5 =	sshll.u32 s28, $0x1;
	[dreg:$0x2] =	wrdreg s3  }
0xa9: {  	[dreg:$0x3] =	wrdreg s5  }
0xaa: {  	[dreg:$0x4] =	wrdreg $0xC0  }
0xab: {  	_ =	task [dreg:s7], $0x5FFFF  }
0xac: {  	[dreg:$0x1] =	wrdreg $0xFFFFFFFF  }
0xad: {  	[dreg:$0x0] =	wrdreg $0x60  }
0xae: {  	[dreg:$0x2] =	wrdreg s2  }
0xaf: {  	[dreg:$0x3] =	wrdreg s24  }
0xb0: {  	[dreg:$0x4] =	wrdreg $0x9  }
0xb1: {  	_ =	task.clear_ibuf [dreg:s7], $0x5FFFF;
	_ =	strace $0x90000046  }
0xb2: {  	s29 =	simm.s32 $0x9;
	_ =	strace $0x80000048  }
0xb3: {  	_ =	swait.ge [sflag:s29], $0x1  }
0xb4: {  	[sflag:s29] =	ssyncadd.s32 $0xFFFFFFFF  }
0xb5: {  	_ =	strace $0x90000048  }
0xb6: {  	_ =	sfence  }
0xb7: {  	s30 =	sld [smem:$0x0];
	_ =	sdelay $0x2  }
0xb8: {  	s31 =	sshll.u32 s1, $0xD;
	s1 =	sshrl.u32 s1, $0x2  }
0xb9: {  	s3 =	sand.u32 $0x4000, s31;
	s1 =	sadd.s32 s1, s30  }
0xba: {  	s0 =	sor.u32 s3, s0;
	s1 =	sshll.u32 s1, $0x11  }
0xbb: {  	s0 =	sor.u32 s1, s0  }
0xbc: {  	s0 =	sadd.s32 $0x8F2B, s0  }
0xbd: {  	[sflag:s0] =	ssyncadd.remote.s32 $0x1  }
0xbe: {  	_ =	sfence.sel $0xFFFF  }
0xbf: {  	[dreg:$0x0] =	wrdreg $0xFFFFFFFF;
	(pc) =	sbr.abs _section_cstart, $3  }
0xc0: {  	[dreg:$0x1] =	wrdreg $0xFFFFFFFF  }
0xc1: {  	_ =	task.clear_ibuf [dreg:s7], $0x2FFFF;
	_ =	strace $0x9FFFFFFF  }
0xc2: {  	(tm) =	ssettm $0x7FFFFFFF  }
0xc3: {  	_ =	shalt  }
tec
execute0_lowered:
.L_overlay_start_1:
0x0: {  	(tag) =	ssettag $0x1  }
0x1: {  	s1 =	rddreg [dreg:$0x0]  }
0x2: {  	s9 =	rddreg [dreg:$0x1]  }
0x3: {  	s0 =	rddreg [dreg:$0x2]  }
0x4: {  	s3 =	simm.s32 $0x0;
	s4 =	srdreg.scid;
	s2 =	stileid.u32  }
0x5: {  	s11 =	simm.s32 $0x3;
	s12 =	simm.s32 $0x1C6A0;
	s13 =	simm.s32 $0x1D6A0  }
0x6: {  	s14 =	simm.s32 $0x1;
	s15 =	simm.s32 $0x2;
	s16 =	simm.s32 $0x0  }
0x7: {  	[smem:$0x7FF] =	sst s3;
	s6 =	sand.u32 $0x1, s4;
	s4 =	sadd.s32 $0x400, s9  }
0x8: {  	s8 =	sshll.u32 s2, $0x1;
	s5 =	sadd.s32 $0x9EB600, s9;
	s7 =	ssub.s32 $0x2, s6  }
0x9: {  	_ =	strace $0x80000047;
	s6 =	sor.u32 s6, s8;
	s10 =	sshrl.u32 s7, $0x1  }
0xa: {  	s8 =	sadd.s32 $0x9EBA00, s9;
	s6 =	smul.u32 $0x1A, s6;
	s10 =	ssub.s32 s7, s10  }
0xb: {  	s7 =	sadd.s32 $0x9EB800, s9;
	s9 =	sadd.s32 $0x9EBC00, s9;
	s10 =	smax.u32 s10, $0x1  }
.LBB2_1:
0xc: {  	s18 =	simm.s32 $0xFFFFFFFF;
	s17 =	simm.s32 $0x0  }
.LBB2_2:
0xd: {  	s20 =	sadd.s32 s6, s17  }
0xe: {  	s19 =	smov.u32 s18;
	s18 =	sshrl.u32 s20, $0x5  }
0xf: {  	p0 =	seq.s32 s18, s19  }
0x10: {  	s19 =	sshll.u32 @!p0 s18, $0xB  }
0x11: {  	s19 =	sand.u32 @!p0 $0x1FFFF800, s19  }
0x12: {  	s21 =	simm.s32 @!p0 $0x0;
	s22 =	simm.s32 @!p0 $0x186A0;
	s19 =	sadd.s32 @!p0 s1, s19  }
0x13: {  	[tilespmem:s22], [sflag:$0x3] =	stream.linear.gather @!p0 [hbm4b:s19+s21], $0x4000, $0x38;
	[tilespmem:$0x1E6A0] =	vst v63  }
0x14: {  	s30 =	smul.u32 $0x30D400, s18;
	s19 =	sand.u32 $0x1F, s20  }
0x15: {  	s31 =	smul.u32 $0x186A0, s19  }
0x16: {  	s22 =	simm.s32 @!p0 $0x3  }
0x17: {  	_ =	swait.ge @!p0 [sflag:s22], $0x4000;
	s20 =	sadd.s32 s31, s30  }
0x18: {  	[sflag:s22] =	ssyncset.done @!p0 $0x0;
	s20 =	sshrl.u32 s20, $0x3  }
0x19: {  	[sflag:s22] =	ssyncadd.s32 @!p0 $0xFFFFC000;
	s20 =	sadd.s32 s4, s20  }
0x1a: {  	[tilespmem:s3], [sflag:$0x3] =	stream.linear.gather [hbm4b:s20+s3], $0x186A0, $0x38;
	[tilespmem:$0x1E6A0] =	vst v63  }
0x1b: {  	_ =	swait.ge [sflag:s11], $0x186A0  }
0x1c: {  	p0 =	seq.s32 s17, $0x0;
	[sflag:s11] =	ssyncset.done $0x0  }
0x1d: {  	s20 =	simm.s32 @!p0 $0x1;
	[sflag:s11] =	ssyncadd.s32 $0xFFFE7960  }
0x1e: {  	_ =	swait.ge @!p0 [sflag:s20], $0x1000  }
0x1f: {  	[sflag:s20] =	ssyncset.done @!p0 $0x0  }
0x20: {  	[sflag:s20] =	ssyncadd.s32 @!p0 $0xFFFFF000;
	s20 =	simm.s32 $0x0  }
0x21: {  	v0 =	vld [tilespmem:s20+$0x186A0];
	_ =	sdelay $0x5  }
0x22: {  	v1 =	vld [tilespmem:s20+$0x186B0];
	_ =	sdelay $0x1  }
0x23: {  	v0 =	vld.idx.msk [tilespmem:v0+s3+$0x0], $0xffff;
	_ =	sdelay $0x4  }
0x24: {  	v2 =	vld [tilespmem:s20+$0x186C0];
	[tilespmem:s20+$0x1C6A0] =	vst v0  }
0x25: {  	v0 =	vld.idx.msk [tilespmem:v1+s3+$0x0], $0xffff;
	_ =	sdelay $0x4  }
0x26: {  	[tilespmem:s20+$0x1C6B0] =	vst v0;
	v0 =	vld [tilespmem:s20+$0x186D0];
	_ =	sdelay $0x1  }
0x27: {  	v1 =	vld.idx.msk [tilespmem:v2+s3+$0x0], $0xffff;
	_ =	sdelay $0x3  }
0x28: {  	s21 =	simm.s32 $0x200;
	s22 =	simm.s32 $0x40  }
.LBB2_3:
0x29: {  	p1 =	sne.s32 s21, $0x3F00;
	v2 =	vld [tilespmem:s22+$0x186A0];
	[tilespmem:s20+$0x1C6C0] =	vst v1  }
0x2a: {  	v0 =	vld.idx.msk [tilespmem:v0+s3+$0x0], $0xffff;
	_ =	sdelay $0x5  }
0x2b: {  	v1 =	vld [tilespmem:s22+$0x186B0];
	[tilespmem:s20+$0x1C6D0] =	vst v0;
	s20 =	smov.u32 s22  }
0x2c: {  	v0 =	vld.idx.msk [tilespmem:v2+s3+$0x0], $0xffff;
	_ =	sdelay $0x5  }
0x2d: {  	[tilespmem:s20+$0x1C6A0] =	vst v0;
	v2 =	vld [tilespmem:s20+$0x186C0]  }
0x2e: {  	v0 =	vld.idx.msk [tilespmem:v1+s3+$0x0], $0xffff;
	_ =	sdelay $0x5  }
0x2f: {  	[tilespmem:s20+$0x1C6B0] =	vst v0;
	v0 =	vld [tilespmem:s20+$0x186D0]  }
0x30: {  	v1 =	vld.idx.msk [tilespmem:v2+s3+$0x0], $0xffff  }
.Ltmp0:
0x31: {  	(pc) =	sbr.rel @p1 .LBB2_3-.Ltmp0, $2  }
0x32: {  	_ =	sdelay $0x2  }
0x33: {  	s22 =	sshra.s32 s21, $0x2;
	s21 =	sadd.s32 $0x100, s21  }
0x34: {  	_ =	sdelay $0x1  }
0x35: {  	v2 =	vld [tilespmem:s22+$0x186A0]  }
0x36: {  	[tilespmem:s20+$0x1C6C0] =	vst v1  }
0x37: {  	v0 =	vld.idx.msk [tilespmem:v0+s3+$0x0], $0xffff;
	_ =	sdelay $0x3  }
0x38: {  	v1 =	vld [tilespmem:s22+$0x186B0]  }
0x39: {  	[tilespmem:s20+$0x1C6D0] =	vst v0  }
0x3a: {  	v0 =	vld.idx.msk [tilespmem:v2+s3+$0x0], $0xffff;
	_ =	sdelay $0x4  }
0x3b: {  	[tilespmem:s22+$0x1C6A0] =	vst v0;
	v0 =	vld [tilespmem:s22+$0x186C0]  }
0x3c: {  	v1 =	vld.idx.msk [tilespmem:v1+s3+$0x0], $0xffff;
	_ =	sdelay $0x4  }
0x3d: {  	[tilespmem:s22+$0x1C6B0] =	vst v1;
	v1 =	vld [tilespmem:s22+$0x186D0];
	_ =	sdelay $0x1  }
0x3e: {  	v0 =	vld.idx.msk [tilespmem:v0+s3+$0x0], $0xffff;
	_ =	sdelay $0x4  }
0x3f: {  	[tilespmem:s22+$0x1C6C0] =	vst v0  }
0x40: {  	v0 =	vld.idx.msk [tilespmem:v1+s3+$0x0], $0xffff;
	_ =	sdelay $0x2  }
0x41: {  	s31 =	sshll.u32 s18, $0x10;
	s19 =	sshll.u32 s19, $0xB  }
0x42: {  	s19 =	sor.u32 s19, s31  }
0x43: {  	s20 =	sadd.s32 s5, s19;
	[tilespmem:s22+$0x1C6D0] =	vst v0  }
0x44: {  	[hbm4b:s20+s3] =	stream.linear.scatter [tilespmem:s12], [sflag:$0x1], $0x1000, $0x38;
	[tilespmem:$0x1E6A0] =	vst v63  }
0x45: {  	s20 =	simm.s32 @!p0 $0x2  }
0x46: {  	_ =	swait.ge @!p0 [sflag:s20], $0x1000  }
0x47: {  	[sflag:s20] =	ssyncset.done @!p0 $0x0  }
0x48: {  	[sflag:s20] =	ssyncadd.s32 @!p0 $0xFFFFF000;
	s20 =	simm.s32 $0x0  }
0x49: {  	v0 =	vld [tilespmem:s20+$0x196A0];
	_ =	sdelay $0x5  }
0x4a: {  	v1 =	vld [tilespmem:s20+$0x196B0];
	_ =	sdelay $0x1  }
0x4b: {  	v0 =	vld.idx.msk [tilespmem:v0+s3+$0x0], $0xffff;
	_ =	sdelay $0x4  }
0x4c: {  	v2 =	vld [tilespmem:s20+$0x196C0];
	[tilespmem:s20+$0x1D6A0] =	vst v0  }
0x4d: {  	v0 =	vld.idx.msk [tilespmem:v1+s3+$0x0], $0xffff;
	_ =	sdelay $0x4  }
0x4e: {  	[tilespmem:s20+$0x1D6B0] =	vst v0;
	v0 =	vld [tilespmem:s20+$0x196D0];
	_ =	sdelay $0x1  }
0x4f: {  	v1 =	vld.idx.msk [tilespmem:v2+s3+$0x0], $0xffff;
	_ =	sdelay $0x3  }
0x50: {  	s21 =	simm.s32 $0x200;
	s22 =	simm.s32 $0x40  }
.LBB2_5:
0x51: {  	p0 =	sne.s32 s21, $0x3F00;
	v2 =	vld [tilespmem:s22+$0x196A0];
	[tilespmem:s20+$0x1D6C0] =	vst v1  }
0x52: {  	v0 =	vld.idx.msk [tilespmem:v0+s3+$0x0], $0xffff;
	_ =	sdelay $0x5  }
0x53: {  	v1 =	vld [tilespmem:s22+$0x196B0];
	[tilespmem:s20+$0x1D6D0] =	vst v0;
	s20 =	smov.u32 s22  }
0x54: {  	v0 =	vld.idx.msk [tilespmem:v2+s3+$0x0], $0xffff;
	_ =	sdelay $0x5  }
0x55: {  	[tilespmem:s20+$0x1D6A0] =	vst v0;
	v2 =	vld [tilespmem:s20+$0x196C0]  }
0x56: {  	v0 =	vld.idx.msk [tilespmem:v1+s3+$0x0], $0xffff;
	_ =	sdelay $0x5  }
0x57: {  	[tilespmem:s20+$0x1D6B0] =	vst v0;
	v0 =	vld [tilespmem:s20+$0x196D0]  }
0x58: {  	v1 =	vld.idx.msk [tilespmem:v2+s3+$0x0], $0xffff  }
.Ltmp1:
0x59: {  	(pc) =	sbr.rel @p0 .LBB2_5-.Ltmp1, $2  }
0x5a: {  	_ =	sdelay $0x2  }
0x5b: {  	s22 =	sshra.s32 s21, $0x2;
	s21 =	sadd.s32 $0x100, s21  }
0x5c: {  	_ =	sdelay $0x1  }
0x5d: {  	v2 =	vld [tilespmem:s22+$0x196A0]  }
0x5e: {  	[tilespmem:s20+$0x1D6C0] =	vst v1  }
0x5f: {  	v0 =	vld.idx.msk [tilespmem:v0+s3+$0x0], $0xffff;
	_ =	sdelay $0x3  }
0x60: {  	v1 =	vld [tilespmem:s22+$0x196B0]  }
0x61: {  	[tilespmem:s20+$0x1D6D0] =	vst v0  }
0x62: {  	v0 =	vld.idx.msk [tilespmem:v2+s3+$0x0], $0xffff;
	_ =	sdelay $0x4  }
0x63: {  	[tilespmem:s22+$0x1D6A0] =	vst v0;
	v0 =	vld [tilespmem:s22+$0x196C0]  }
0x64: {  	v1 =	vld.idx.msk [tilespmem:v1+s3+$0x0], $0xffff;
	_ =	sdelay $0x4  }
0x65: {  	[tilespmem:s22+$0x1D6B0] =	vst v1;
	v1 =	vld [tilespmem:s22+$0x196D0];
	_ =	sdelay $0x1  }
0x66: {  	v0 =	vld.idx.msk [tilespmem:v0+s3+$0x0], $0xffff;
	_ =	sdelay $0x4  }
0x67: {  	[tilespmem:s22+$0x1D6C0] =	vst v0  }
0x68: {  	v0 =	vld.idx.msk [tilespmem:v1+s3+$0x0], $0xffff;
	_ =	sdelay $0x4  }
0x69: {  	s31 =	sadd.s32 s19, s7;
	s21 =	simm.s32 $0x0;
	[tilespmem:s22+$0x1D6D0] =	vst v0  }
0x6a: {  	[hbm4b:s31+s21] =	stream.linear.scatter [tilespmem:s13], [sflag:$0x2], $0x1000, $0x38;
	[tilespmem:$0x1E6A0] =	vst v63  }
0x6b: {  	_ =	swait.ge [sflag:s14], $0x1000  }
0x6c: {  	[sflag:s14] =	ssyncset.done $0x0  }
0x6d: {  	s20 =	simm.s32 $0x0;
	[sflag:s14] =	ssyncadd.s32 $0xFFFFF000  }
0x6e: {  	v0 =	vld [tilespmem:s20+$0x1A6A0];
	_ =	sdelay $0x5  }
0x6f: {  	v1 =	vld [tilespmem:s20+$0x1A6B0];
	_ =	sdelay $0x1  }
0x70: {  	v0 =	vld.idx.msk [tilespmem:v0+s3+$0x0], $0xffff;
	_ =	sdelay $0x4  }
0x71: {  	v2 =	vld [tilespmem:s20+$0x1A6C0];
	[tilespmem:s20+$0x1C6A0] =	vst v0  }
0x72: {  	v0 =	vld.idx.msk [tilespmem:v1+s3+$0x0], $0xffff;
	_ =	sdelay $0x4  }
0x73: {  	[tilespmem:s20+$0x1C6B0] =	vst v0;
	v0 =	vld [tilespmem:s20+$0x1A6D0];
	_ =	sdelay $0x1  }
0x74: {  	v1 =	vld.idx.msk [tilespmem:v2+s3+$0x0], $0xffff;
	_ =	sdelay $0x3  }
0x75: {  	s22 =	simm.s32 $0x40;
	s21 =	simm.s32 $0x200  }
.LBB2_7:
0x76: {  	p0 =	sne.s32 s21, $0x3F00;
	v2 =	vld [tilespmem:s22+$0x1A6A0];
	[tilespmem:s20+$0x1C6C0] =	vst v1  }
0x77: {  	v0 =	vld.idx.msk [tilespmem:v0+s3+$0x0], $0xffff;
	_ =	sdelay $0x5  }
0x78: {  	v1 =	vld [tilespmem:s22+$0x1A6B0];
	[tilespmem:s20+$0x1C6D0] =	vst v0;
	s20 =	smov.u32 s22  }
0x79: {  	v0 =	vld.idx.msk [tilespmem:v2+s3+$0x0], $0xffff;
	_ =	sdelay $0x5  }
0x7a: {  	[tilespmem:s20+$0x1C6A0] =	vst v0;
	v2 =	vld [tilespmem:s20+$0x1A6C0]  }
0x7b: {  	v0 =	vld.idx.msk [tilespmem:v1+s3+$0x0], $0xffff;
	_ =	sdelay $0x5  }
0x7c: {  	[tilespmem:s20+$0x1C6B0] =	vst v0;
	v0 =	vld [tilespmem:s20+$0x1A6D0]  }
0x7d: {  	v1 =	vld.idx.msk [tilespmem:v2+s3+$0x0], $0xffff  }
.Ltmp2:
0x7e: {  	(pc) =	sbr.rel @p0 .LBB2_7-.Ltmp2, $2  }
0x7f: {  	_ =	sdelay $0x2  }
0x80: {  	s22 =	sshra.s32 s21, $0x2;
	s21 =	sadd.s32 $0x100, s21  }
0x81: {  	_ =	sdelay $0x1  }
0x82: {  	v2 =	vld [tilespmem:s22+$0x1A6A0]  }
0x83: {  	[tilespmem:s20+$0x1C6C0] =	vst v1  }
0x84: {  	v0 =	vld.idx.msk [tilespmem:v0+s3+$0x0], $0xffff;
	_ =	sdelay $0x3  }
0x85: {  	v1 =	vld [tilespmem:s22+$0x1A6B0]  }
0x86: {  	[tilespmem:s20+$0x1C6D0] =	vst v0  }
0x87: {  	v0 =	vld.idx.msk [tilespmem:v2+s3+$0x0], $0xffff;
	_ =	sdelay $0x4  }
0x88: {  	[tilespmem:s22+$0x1C6A0] =	vst v0;
	v0 =	vld [tilespmem:s22+$0x1A6C0]  }
0x89: {  	v1 =	vld.idx.msk [tilespmem:v1+s3+$0x0], $0xffff;
	_ =	sdelay $0x4  }
0x8a: {  	[tilespmem:s22+$0x1C6B0] =	vst v1;
	v1 =	vld [tilespmem:s22+$0x1A6D0];
	_ =	sdelay $0x1  }
0x8b: {  	v0 =	vld.idx.msk [tilespmem:v0+s3+$0x0], $0xffff;
	_ =	sdelay $0x4  }
0x8c: {  	[tilespmem:s22+$0x1C6C0] =	vst v0  }
0x8d: {  	v0 =	vld.idx.msk [tilespmem:v1+s3+$0x0], $0xffff;
	_ =	sdelay $0x4  }
0x8e: {  	s31 =	sadd.s32 s19, s8;
	s21 =	simm.s32 $0x0;
	[tilespmem:s22+$0x1C6D0] =	vst v0  }
0x8f: {  	[hbm4b:s31+s21] =	stream.linear.scatter [tilespmem:s12], [sflag:$0x1], $0x1000, $0x38;
	[tilespmem:$0x1E6A0] =	vst v63  }
0x90: {  	_ =	swait.ge [sflag:s15], $0x1000  }
0x91: {  	[sflag:s15] =	ssyncset.done $0x0  }
0x92: {  	s20 =	simm.s32 $0x0;
	[sflag:s15] =	ssyncadd.s32 $0xFFFFF000  }
0x93: {  	v0 =	vld [tilespmem:s20+$0x1B6A0];
	_ =	sdelay $0x5  }
0x94: {  	v1 =	vld [tilespmem:s20+$0x1B6B0];
	_ =	sdelay $0x1  }
0x95: {  	v0 =	vld.idx.msk [tilespmem:v0+s3+$0x0], $0xffff;
	_ =	sdelay $0x4  }
0x96: {  	v2 =	vld [tilespmem:s20+$0x1B6C0];
	[tilespmem:s20+$0x1D6A0] =	vst v0  }
0x97: {  	v0 =	vld.idx.msk [tilespmem:v1+s3+$0x0], $0xffff;
	_ =	sdelay $0x4  }
0x98: {  	[tilespmem:s20+$0x1D6B0] =	vst v0;
	v0 =	vld [tilespmem:s20+$0x1B6D0];
	_ =	sdelay $0x1  }
0x99: {  	v1 =	vld.idx.msk [tilespmem:v2+s3+$0x0], $0xffff;
	_ =	sdelay $0x3  }
0x9a: {  	s22 =	simm.s32 $0x40;
	s21 =	simm.s32 $0x200  }
.LBB2_9:
0x9b: {  	p0 =	sne.s32 s21, $0x3F00;
	v2 =	vld [tilespmem:s22+$0x1B6A0];
	[tilespmem:s20+$0x1D6C0] =	vst v1  }
0x9c: {  	v0 =	vld.idx.msk [tilespmem:v0+s3+$0x0], $0xffff;
	_ =	sdelay $0x5  }
0x9d: {  	v1 =	vld [tilespmem:s22+$0x1B6B0];
	[tilespmem:s20+$0x1D6D0] =	vst v0;
	s20 =	smov.u32 s22  }
0x9e: {  	v0 =	vld.idx.msk [tilespmem:v2+s3+$0x0], $0xffff;
	_ =	sdelay $0x5  }
0x9f: {  	[tilespmem:s20+$0x1D6A0] =	vst v0;
	v2 =	vld [tilespmem:s20+$0x1B6C0]  }
0xa0: {  	v0 =	vld.idx.msk [tilespmem:v1+s3+$0x0], $0xffff;
	_ =	sdelay $0x5  }
0xa1: {  	[tilespmem:s20+$0x1D6B0] =	vst v0;
	v0 =	vld [tilespmem:s20+$0x1B6D0]  }
0xa2: {  	v1 =	vld.idx.msk [tilespmem:v2+s3+$0x0], $0xffff  }
.Ltmp3:
0xa3: {  	(pc) =	sbr.rel @p0 .LBB2_9-.Ltmp3, $2  }
0xa4: {  	_ =	sdelay $0x2  }
0xa5: {  	s22 =	sshra.s32 s21, $0x2;
	s21 =	sadd.s32 $0x100, s21  }
0xa6: {  	_ =	sdelay $0x1  }
0xa7: {  	v2 =	vld [tilespmem:s22+$0x1B6A0]  }
0xa8: {  	[tilespmem:s20+$0x1D6C0] =	vst v1  }
0xa9: {  	v0 =	vld.idx.msk [tilespmem:v0+s3+$0x0], $0xffff;
	_ =	sdelay $0x3  }
0xaa: {  	v1 =	vld [tilespmem:s22+$0x1B6B0]  }
0xab: {  	[tilespmem:s20+$0x1D6D0] =	vst v0  }
0xac: {  	v0 =	vld.idx.msk [tilespmem:v2+s3+$0x0], $0xffff;
	_ =	sdelay $0x3  }
0xad: {  	v62 =	vld [tilespmem:s22+$0x1B6C0]  }
0xae: {  	[tilespmem:s22+$0x1D6A0] =	vst v0  }
0xaf: {  	v1 =	vld.idx.msk [tilespmem:v1+s3+$0x0], $0xffff;
	_ =	sdelay $0x3  }
0xb0: {  	v63 =	vld [tilespmem:s22+$0x1B6D0]  }
0xb1: {  	[tilespmem:s22+$0x1D6B0] =	vst v1  }
0xb2: {  	v0 =	vld.idx.msk [tilespmem:v62+s3+$0x0], $0xffff;
	_ =	sdelay $0x4  }
0xb3: {  	[tilespmem:s22+$0x1D6C0] =	vst v0  }
0xb4: {  	s17 =	sadd.s32 $0x1, s17;
	v0 =	vld.idx.msk [tilespmem:v63+s3+$0x0], $0xffff  }
0xb5: {  	p0 =	sne.s32 s17, $0x1A  }
.Ltmp4:
0xb6: {  	_ = 	snop;
	(pc) =	sbr.rel @p0 .LBB2_2-.Ltmp4, $3  }
0xb7: {  	_ =	sdelay $0x1  }
0xb8: {  	s19 =	sadd.s32 s19, s9;
	[tilespmem:s22+$0x1D6D0] =	vst v0  }
0xb9: {  	[hbm4b:s19+s3] =	stream.linear.scatter [tilespmem:s13], [sflag:$0x2], $0x1000, $0x38;
	[tilespmem:$0x1E6A0] =	vst v63  }
0xba: {  	s16 =	sadd.s32 $0x1, s16  }
0xbb: {  	_ =	swait.ge [sflag:s14], $0x1000;
	p0 =	sne.s32 s16, s10  }
.Ltmp5:
0xbc: {  	[sflag:s14] =	ssyncset.done $0x0;
	(pc) =	sbr.rel @p0 .LBB2_1-.Ltmp5, $4  }
0xbd: {  	[sflag:s14] =	ssyncadd.s32 $0xFFFFF000  }
0xbe: {  	_ =	swait.ge [sflag:s15], $0x1000  }
0xbf: {  	[sflag:s15] =	ssyncset.done $0x0  }
0xc0: {  	[sflag:s15] =	ssyncadd.s32 $0xFFFFF000  }
0xc1: {  	_ =	sfence.sel $0x180000  }
0xc2: {  	[bflag:$0x0] =	sbarrier.arrive $0xFFFF  }
0xc3: {  	p0 =	sne.s32 s2, $0x0;
	_ =	strace $0x90000047  }
0xc4: {  	s0 =	sadd.s32 @!p0 $0x100000, s0;
	[bflag:$0x2] =	sbarrier.arrive $0xFFFF  }
0xc5: {  	[sflag:s0] =	ssyncadd.tile.s32 @!p0 $0x1;
	_ =	shalt  }
.Lfunc_end2:
_tile_overlayer_lowered:
.L_overlay_start_2:
0xc6: {  	(tag) =	ssettag $0x2  }
0xc7: {  	s0 =	rddreg [dreg:$0x0];
	s2 =	stileid.u32  }
0xc8: {  	s1 =	rddreg [dreg:$0x1];
	p0 =	sne.s32 s2, $0x0  }
0xc9: {  	s3 =	rddreg [dreg:$0x2];
	[bflag:$0x3] =	sbarrier.arrive $0xFFFF;
	s2 =	simm.s32 @!p0 $0x1C03  }
0xca: {  	[timem:s3], [sflag:s2] =	dma.local @!p0 [hbm:s0], s1  }
0xcb: {  	s0 =	simm.s32 @!p0 $0x3  }
0xcc: {  	_ =	swait.ge @!p0 [sflag:s0], s1  }
0xcd: {  	s1 =	ssub.s32 @!p0 $0x0, s1;
	[sflag:s0] =	ssyncset.done @!p0 $0x0  }
0xce: {  	[sflag:s0] =	ssyncadd.s32 @!p0 s1  }
0xcf: {  	[bflag:$0x3] =	sbarrier.arrive $0xFFFF  }
0xd0: {  	_ =	shalt  }

</sc_bundles>
